<compile_context>
chip_gen: v7x
topology: tpu7x:2x2x1
jax: 0.10.2.dev20260603
libtpu: 0.0.44.dev20260713+nightly
codegen_flags: <defaults>
</compile_context>

<pallas_src>
import functools

import jax
import jax.numpy as jnp
from jax import lax
from jax.experimental import pallas as pl
from jax.experimental.pallas import tpu as pltpu
from jax.experimental.pallas import tpu_sc as plsc

MOD = 100
NB, NS_SEQ = 16384, 26
N_TOTAL = NB * NS_SEQ
NC, NSC, LANES = 2, 16, 16
NW = NC * NSC
B_PER_W = NB // NW
PER_W = B_PER_W * NS_SEQ
BCHUNK = 16
CHUNK = BCHUNK * NS_SEQ
N_CHUNKS = B_PER_W // BCHUNK
D = 16
QROWS = 10001

assert NB % NW == 0 and B_PER_W % BCHUNK == 0 and N_CHUNKS % 2 == 0


def _sc_lookup_body(xt_hbm, qt_hbm, rt_hbm, out_hbm,
                    x_v, qi_v, ri_v, qr0, rr0, qr1, rr1, o0, o1,
                    qt_sh, rt_sh,
                    g0, g1, s0, s1):
    wid = lax.axis_index("s") * NC + lax.axis_index("c")
    b0 = wid * B_PER_W

    @pl.when(lax.axis_index("s") == 0)
    def _():
        pltpu.sync_copy(qt_hbm, qt_sh)
        pltpu.sync_copy(rt_hbm, rt_sh)

    pltpu.sync_copy(xt_hbm.at[:, pl.ds(b0, B_PER_W)], x_v)

    def divmod_s(s, carry):
        def divmod_m(m, carry2):
            v = x_v[s, pl.ds(m * LANES, LANES)]
            xf = v.astype(jnp.float32)
            q = ((xf + 0.5) * 0.01).astype(jnp.int32)
            off = m * CHUNK + s * LANES
            qi_v[pl.ds(off, LANES)] = q
            ri_v[pl.ds(off, LANES)] = v - q * MOD
            return carry2
        lax.fori_loop(0, N_CHUNKS, divmod_m, 0)
        return carry

    lax.fori_loop(0, NS_SEQ, divmod_s, 0)
    plsc.subcore_barrier()

    def start_gather(j, qr, rr, gsem):
        pltpu.make_async_copy(
            qt_sh.at[qi_v.at[pl.ds(j * CHUNK, CHUNK)]], qr, gsem).start()
        pltpu.make_async_copy(
            rt_sh.at[ri_v.at[pl.ds(j * CHUNK, CHUNK)]], rr, gsem).start()

    def wait_gather(qr, rr, gsem):
        pltpu.make_async_copy(
            qt_sh.at[qi_v.at[pl.ds(0, CHUNK)]], qr, gsem).wait()
        pltpu.make_async_copy(
            rt_sh.at[ri_v.at[pl.ds(0, CHUNK)]], rr, gsem).wait()

    def out_copy(j, o, osem):
        b_abs = b0 + j * BCHUNK
        blk = lax.div(b_abs, 128)
        off = lax.rem(b_abs, 128)
        return pltpu.make_async_copy(
            o, out_hbm.at[:, :, blk, :, pl.ds(off, BCHUNK)], osem)

    d_iota = lax.iota(jnp.int32, LANES)
    dhi_vec = lax.shift_right_logical(d_iota, 3)
    dlo_vec = lax.rem(d_iota, 8)
    bb_splats = [jnp.full((LANES,), bb, jnp.int32) for bb in range(BCHUNK)]

    def mul(qr, rr, o):
        def body(s, carry):
            s_vec = jnp.full((LANES,), s, jnp.int32)
            for bb in range(BCHUNK):
                j = s * BCHUNK + bb
                plsc.store_scatter(o, [s_vec, dhi_vec, dlo_vec,
                                       bb_splats[bb]],
                                   qr[j, :] * rr[j, :])
            return carry
        lax.fori_loop(0, NS_SEQ, body, 0)

    start_gather(0, qr0, rr0, g0)

    def step(t, carry):
        j0 = 2 * t
        start_gather(j0 + 1, qr1, rr1, g1)
        wait_gather(qr0, rr0, g0)

        @pl.when(t > 0)
        def _():
            out_copy(0, o0, s0).wait()

        mul(qr0, rr0, o0)
        out_copy(j0, o0, s0).start()

        @pl.when(t < N_CHUNKS // 2 - 1)
        def _():
            start_gather(j0 + 2, qr0, rr0, g0)

        wait_gather(qr1, rr1, g1)

        @pl.when(t > 0)
        def _():
            out_copy(0, o1, s1).wait()

        mul(qr1, rr1, o1)
        out_copy(j0 + 1, o1, s1).start()
        return carry

    lax.fori_loop(0, N_CHUNKS // 2, step, 0)
    out_copy(0, o0, s0).wait()
    out_copy(0, o1, s1).wait()


@functools.partial(
    pl.kernel,
    out_type=jax.ShapeDtypeStruct((NS_SEQ, D // 8, NB // 128, 8, 128),
                                  jnp.float32),
    mesh=plsc.VectorSubcoreMesh(core_axis_name="c", subcore_axis_name="s"),
    compiler_params=pltpu.CompilerParams(use_tc_tiling_on_sc=False,
                                         needs_layout_passes=False),
    scratch_types=[
        pltpu.VMEM((NS_SEQ, B_PER_W), jnp.int32),
        pltpu.VMEM((PER_W,), jnp.int32),
        pltpu.VMEM((PER_W,), jnp.int32),
        pltpu.VMEM((CHUNK, D), jnp.float32),
        pltpu.VMEM((CHUNK, D), jnp.float32),
        pltpu.VMEM((CHUNK, D), jnp.float32),
        pltpu.VMEM((CHUNK, D), jnp.float32),
        pltpu.VMEM((NS_SEQ, D // 8, 8, BCHUNK), jnp.float32),
        pltpu.VMEM((NS_SEQ, D // 8, 8, BCHUNK), jnp.float32),
        pltpu.VMEM_SHARED((QROWS, D), jnp.float32),
        pltpu.VMEM_SHARED((MOD, D), jnp.float32),
        pltpu.SemaphoreType.DMA,
        pltpu.SemaphoreType.DMA,
        pltpu.SemaphoreType.DMA,
        pltpu.SemaphoreType.DMA,
    ],
)
def _sc_lookup(*refs):
    _sc_lookup_body(*refs)


def kernel(x, quotient_table, remainder_table):
    out5 = _sc_lookup(x.T.astype(jnp.int32), quotient_table,
                      remainder_table)
    return out5.transpose(2, 4, 0, 1, 3).reshape(NB, NS_SEQ, D)

# --- scband reference (transcript-rebuilt; emitter-appended) ---
"""Pipeline reference for scband-quotient-remainder-embedding-69200513073701 (READ-ONLY COPY).

The authoritative reference and input builder live on the scoring server;
editing this copy changes nothing except your own understanding.
"""

import jax, jax.numpy as jnp
import numpy as np

M = 100
NUM_EMBEDDINGS = 1000000
EMBEDDING_DIM = 16

def setup_inputs(seed: int = 0) -> dict:
    key = jax.random.key(seed)
    k1, k2, k3 = jax.random.split(key, 3)
    x = jax.random.randint(k1, (16384, 26), 0, NUM_EMBEDDINGS, dtype=jnp.int64 if jax.config.jax_enable_x64 else jnp.int32)
    quotient_table = jax.random.normal(k2, (NUM_EMBEDDINGS // M + 1, EMBEDDING_DIM), dtype=jnp.float32)
    remainder_table = jax.random.normal(k3, (M, EMBEDDING_DIM), dtype=jnp.float32)
    return {"x": x, "quotient_table": quotient_table, "remainder_table": remainder_table}

def reference(x, quotient_table, remainder_table):
    quotient = x // M
    remainder = x % M
    emb_q = jnp.take(quotient_table, quotient, axis=0)
    emb_r = jnp.take(remainder_table, remainder, axis=0)
    composed_emb = emb_q * emb_r
    return composed_emb

if __name__ == "__main__":
    import jax
    _d = setup_inputs()
    print(jax.jit(kernel)(*tuple(_d.values())))

</pallas_src>

<mosaic_0001>
#map = affine_map<(d0, d1) -> (0, 0)>
#map1 = affine_map<(d0, d1) -> (0, 0, 0, 0, 0)>
module attributes {stable_mosaic.version = 14 : i64} {
  func.func @_sc_lookup(%arg0: i32, %arg1: i32, %arg2: memref<26x16384xi32, #tpu.memory_space<hbm>>, %arg3: memref<10001x16xf32, #tpu.memory_space<hbm>>, %arg4: memref<100x16xf32, #tpu.memory_space<hbm>>, %arg5: memref<26x2x128x8x128xf32, #tpu.memory_space<hbm>>, %arg6: memref<26x512xi32, #tpu.memory_space<vmem>>, %arg7: memref<13312xi32, #tpu.memory_space<vmem>>, %arg8: memref<13312xi32, #tpu.memory_space<vmem>>, %arg9: memref<416x16xf32, #tpu.memory_space<vmem>>, %arg10: memref<416x16xf32, #tpu.memory_space<vmem>>, %arg11: memref<416x16xf32, #tpu.memory_space<vmem>>, %arg12: memref<416x16xf32, #tpu.memory_space<vmem>>, %arg13: memref<26x2x8x16xf32, #tpu.memory_space<vmem>>, %arg14: memref<26x2x8x16xf32, #tpu.memory_space<vmem>>, %arg15: memref<10001x16xf32, #tpu.memory_space<vmem_shared>>, %arg16: memref<100x16xf32, #tpu.memory_space<vmem_shared>>, %arg17: memref<!tpu.dma_semaphore, #tpu.memory_space<semaphore_mem>>, %arg18: memref<!tpu.dma_semaphore, #tpu.memory_space<semaphore_mem>>, %arg19: memref<!tpu.dma_semaphore, #tpu.memory_space<semaphore_mem>>, %arg20: memref<!tpu.dma_semaphore, #tpu.memory_space<semaphore_mem>>) attributes {dimension_semantics = [#tpu.dimension_semantics<core_parallel>, #tpu.dimension_semantics<subcore_parallel>], iteration_bounds = array<i64: 2, 16>, scalar_prefetch = 0 : i64, scratch_operands = 15 : i64, tpu.core_type = #tpu.core_type<sc_vector_subcore>, window_params = [{transform_indices = #map}, {transform_indices = #map}, {transform_indices = #map}, {transform_indices = #map1}]} {
    %mul3A = arith.constant 2 : i32
    %mul3A_0 = arith.muli %arg1, %mul3A : i32
    %add3A = arith.addi %mul3A_0, %arg0 : i32
    %mul3A_1 = arith.constant 512 : i32
    %mul3A_2 = arith.muli %add3A, %mul3A_1 : i32
    %eq3A = arith.constant 0 : i32
    %eq3A_3 = arith.cmpi eq, %arg1, %eq3A : i32
    %convert_element_type3A = arith.extui %eq3A_3 : i1 to i32
    %cond3A = arith.constant 0 : i32
    %cond3A_4 = arith.cmpi ne, %convert_element_type3A, %cond3A : i32
    scf.if %cond3A_4 {
      "tpu.region"() ({
        %run_scoped3A = tpu.sem_alloc : memref<!tpu.dma_semaphore, #tpu.memory_space<semaphore_mem>>
        tpu.enqueue_dma source(%arg3 : memref<10001x16xf32, #tpu.memory_space<hbm>>) target(%arg15 : memref<10001x16xf32, #tpu.memory_space<vmem_shared>>) target_semaphore(%run_scoped3A : memref<!tpu.dma_semaphore, #tpu.memory_space<semaphore_mem>>)
        tpu.wait_dma2 semaphore(%run_scoped3A : memref<!tpu.dma_semaphore, #tpu.memory_space<semaphore_mem>>) src(%arg3 : memref<10001x16xf32, #tpu.memory_space<hbm>>) dst(%arg15 : memref<10001x16xf32, #tpu.memory_space<vmem_shared>>)
        tpu.yield
      }) : () -> ()
      "tpu.region"() ({
        %run_scoped3A = tpu.sem_alloc : memref<!tpu.dma_semaphore, #tpu.memory_space<semaphore_mem>>
        tpu.enqueue_dma source(%arg4 : memref<100x16xf32, #tpu.memory_space<hbm>>) target(%arg16 : memref<100x16xf32, #tpu.memory_space<vmem_shared>>) target_semaphore(%run_scoped3A : memref<!tpu.dma_semaphore, #tpu.memory_space<semaphore_mem>>)
        tpu.wait_dma2 semaphore(%run_scoped3A : memref<!tpu.dma_semaphore, #tpu.memory_space<semaphore_mem>>) src(%arg4 : memref<100x16xf32, #tpu.memory_space<hbm>>) dst(%arg16 : memref<100x16xf32, #tpu.memory_space<vmem_shared>>)
        tpu.yield
      }) : () -> ()
    } else {
    }
    "tpu.region"() ({
      %run_scoped3A = tpu.sem_alloc : memref<!tpu.dma_semaphore, #tpu.memory_space<semaphore_mem>>
      %dma_start3A_90 = arith.constant 0 : i32
      %dma_start3A_91 = tpu.memref_slice %arg2[%dma_start3A_90, %mul3A_2] : memref<26x16384xi32, #tpu.memory_space<hbm>> -> memref<26x512xi32, #tpu.memory_space<hbm>>
      %dma_start3A_92 = arith.constant 0 : i32
      %dma_start3A_93 = tpu.memref_slice %arg2[%dma_start3A_92, %mul3A_2] : memref<26x16384xi32, #tpu.memory_space<hbm>> -> memref<26x512xi32, #tpu.memory_space<hbm>>
      tpu.enqueue_dma source(%dma_start3A_93 : memref<26x512xi32, #tpu.memory_space<hbm>>) target(%arg6 : memref<26x512xi32, #tpu.memory_space<vmem>>) target_semaphore(%run_scoped3A : memref<!tpu.dma_semaphore, #tpu.memory_space<semaphore_mem>>)
      %dma_wait3A_94 = arith.constant 0 : i32
      %dma_wait3A_95 = tpu.memref_slice %arg2[%dma_wait3A_94, %mul3A_2] : memref<26x16384xi32, #tpu.memory_space<hbm>> -> memref<26x512xi32, #tpu.memory_space<hbm>>
      %dma_wait3A_96 = arith.constant 0 : i32
      %dma_wait3A_97 = tpu.memref_slice %arg2[%dma_wait3A_96, %mul3A_2] : memref<26x16384xi32, #tpu.memory_space<hbm>> -> memref<26x512xi32, #tpu.memory_space<hbm>>
      tpu.wait_dma2 semaphore(%run_scoped3A : memref<!tpu.dma_semaphore, #tpu.memory_space<semaphore_mem>>) src(%dma_wait3A_97 : memref<26x512xi32, #tpu.memory_space<hbm>>) dst(%arg6 : memref<26x512xi32, #tpu.memory_space<vmem>>)
      tpu.yield
    }) : () -> ()
    %scan3A = arith.constant 0 : i32
    %scan3A_5 = arith.constant 0 : i32
    %scan3A_6 = arith.constant 26 : i32
    %scan3A_7 = arith.addi %scan3A_5, %scan3A_6 : i32
    %scan3A_8 = arith.constant 1 : i32
    scf.for %scan3A_90 = %scan3A_5 to %scan3A_7 step %scan3A_8  : i32 {
      %scan3A_91 = arith.constant 0 : i32
      %scan3A_92 = arith.constant 0 : i32
      %scan3A_93 = arith.constant 32 : i32
      %scan3A_94 = arith.addi %scan3A_92, %scan3A_93 : i32
      %scan3A_95 = arith.constant 1 : i32
      scf.for %scan3A_97 = %scan3A_92 to %scan3A_94 step %scan3A_95  : i32 {
        %mul3A_98 = arith.constant 16 : i32
        %mul3A_99 = arith.muli %scan3A_97, %mul3A_98 : i32
        %get3A = arith.index_cast %scan3A_90 : i32 to index
        %get3A_100 = arith.index_cast %mul3A_99 : i32 to index
        %get3A_101 = tpu.vector_load %arg6[%get3A, %get3A_100] {strides = array<i32>} : memref<26x512xi32, #tpu.memory_space<vmem>>, vector<16xi32>,
        %convert_element_type3A_102 = arith.sitofp %get3A_101 : vector<16xi32> to vector<16xf32>
        %add3A_103 = arith.constant 5.000000e-01 : f32
        %add3A_104 = vector.broadcast %add3A_103 : f32 to vector<16xf32>
        %add3A_105 = arith.addf %convert_element_type3A_102, %add3A_104 : vector<16xf32>
        %mul3A_106 = arith.constant 0.00999999977 : f32
        %mul3A_107 = vector.broadcast %mul3A_106 : f32 to vector<16xf32>
        %mul3A_108 = arith.mulf %add3A_105, %mul3A_107 : vector<16xf32>
        %convert_element_type3A_109 = arith.fptosi %mul3A_108 : vector<16xf32> to vector<16xi32>
        %mul3A_110 = arith.constant 416 : i32
        %mul3A_111 = arith.muli %scan3A_97, %mul3A_110 : i32
        %mul3A_112 = arith.constant 16 : i32
        %mul3A_113 = arith.muli %scan3A_90, %mul3A_112 : i32
        %add3A_114 = arith.addi %mul3A_111, %mul3A_113 : i32
        %swap3A = arith.index_cast %add3A_114 : i32 to index
        %swap3A_115 = tpu.vector_load %arg7[%swap3A] {strides = array<i32>} : memref<13312xi32, #tpu.memory_space<vmem>>, vector<16xi32>,
        tpu.vector_store %arg7[%swap3A], %convert_element_type3A_109 {strides = array<i32>} : memref<13312xi32, #tpu.memory_space<vmem>>, vector<16xi32>,
        %mul3A_116 = arith.constant 100 : i32
        %mul3A_117 = vector.broadcast %mul3A_116 : i32 to vector<16xi32>
        %mul3A_118 = arith.muli %convert_element_type3A_109, %mul3A_117 : vector<16xi32>
        %sub3A = arith.subi %get3A_101, %mul3A_118 : vector<16xi32>
        %swap3A_119 = arith.index_cast %add3A_114 : i32 to index
        %swap3A_120 = tpu.vector_load %arg8[%swap3A_119] {strides = array<i32>} : memref<13312xi32, #tpu.memory_space<vmem>>, vector<16xi32>,
        tpu.vector_store %arg8[%swap3A_119], %sub3A {strides = array<i32>} : memref<13312xi32, #tpu.memory_space<vmem>>, vector<16xi32>,
      }
      %scan3A_96 = arith.constant 32 : i32
    }
    %scan3A_9 = arith.constant 26 : i32
    %barrier3A = arith.constant 0 : index
    tpu.barrier barrier_id(%barrier3A)
    %iota3A = tpu.iota {dimensions = array<i32: 0>} : vector<16xi32>
    %shift_right_logical3A = arith.constant 3 : i32
    %shift_right_logical3A_10 = vector.broadcast %shift_right_logical3A : i32 to vector<16xi32>
    %shift_right_logical3A_11 = arith.shrui %iota3A, %shift_right_logical3A_10 : vector<16xi32>
    %rem3A = arith.constant 8 : i32
    %rem3A_12 = vector.broadcast %rem3A : i32 to vector<16xi32>
    %rem3A_13 = arith.remsi %iota3A, %rem3A_12 : vector<16xi32>
    %broadcast_in_dim3A = arith.constant 0 : i32
    %broadcast_in_dim3A_14 = vector.broadcast %broadcast_in_dim3A : i32 to vector<16xi32>
    %broadcast_in_dim3A_15 = arith.constant 1 : i32
    %broadcast_in_dim3A_16 = vector.broadcast %broadcast_in_dim3A_15 : i32 to vector<16xi32>
    %broadcast_in_dim3A_17 = arith.constant 2 : i32
    %broadcast_in_dim3A_18 = vector.broadcast %broadcast_in_dim3A_17 : i32 to vector<16xi32>
    %broadcast_in_dim3A_19 = arith.constant 3 : i32
    %broadcast_in_dim3A_20 = vector.broadcast %broadcast_in_dim3A_19 : i32 to vector<16xi32>
    %broadcast_in_dim3A_21 = arith.constant 4 : i32
    %broadcast_in_dim3A_22 = vector.broadcast %broadcast_in_dim3A_21 : i32 to vector<16xi32>
    %broadcast_in_dim3A_23 = arith.constant 5 : i32
    %broadcast_in_dim3A_24 = vector.broadcast %broadcast_in_dim3A_23 : i32 to vector<16xi32>
    %broadcast_in_dim3A_25 = arith.constant 6 : i32
    %broadcast_in_dim3A_26 = vector.broadcast %broadcast_in_dim3A_25 : i32 to vector<16xi32>
    %broadcast_in_dim3A_27 = arith.constant 7 : i32
    %broadcast_in_dim3A_28 = vector.broadcast %broadcast_in_dim3A_27 : i32 to vector<16xi32>
    %broadcast_in_dim3A_29 = arith.constant 8 : i32
    %broadcast_in_dim3A_30 = vector.broadcast %broadcast_in_dim3A_29 : i32 to vector<16xi32>
    %broadcast_in_dim3A_31 = arith.constant 9 : i32
    %broadcast_in_dim3A_32 = vector.broadcast %broadcast_in_dim3A_31 : i32 to vector<16xi32>
    %broadcast_in_dim3A_33 = arith.constant 10 : i32
    %broadcast_in_dim3A_34 = vector.broadcast %broadcast_in_dim3A_33 : i32 to vector<16xi32>
    %broadcast_in_dim3A_35 = arith.constant 11 : i32
    %broadcast_in_dim3A_36 = vector.broadcast %broadcast_in_dim3A_35 : i32 to vector<16xi32>
    %broadcast_in_dim3A_37 = arith.constant 12 : i32
    %broadcast_in_dim3A_38 = vector.broadcast %broadcast_in_dim3A_37 : i32 to vector<16xi32>
    %broadcast_in_dim3A_39 = arith.constant 13 : i32
    %broadcast_in_dim3A_40 = vector.broadcast %broadcast_in_dim3A_39 : i32 to vector<16xi32>
    %broadcast_in_dim3A_41 = arith.constant 14 : i32
    %broadcast_in_dim3A_42 = vector.broadcast %broadcast_in_dim3A_41 : i32 to vector<16xi32>
    %broadcast_in_dim3A_43 = arith.constant 15 : i32
    %broadcast_in_dim3A_44 = vector.broadcast %broadcast_in_dim3A_43 : i32 to vector<16xi32>
    %dma_start3A = arith.constant 0 : i32
    %dma_start3A_45 = tpu.memref_slice %arg7[%dma_start3A] : memref<13312xi32, #tpu.memory_space<vmem>> -> memref<416xi32, #tpu.memory_space<vmem>>
    %dma_start3A_46 = arith.constant 0 : i32
    %dma_start3A_47 = arith.constant 0 : i32
    %dma_start3A_48 = tpu.memref_slice %arg15[%dma_start3A_46, %dma_start3A_47] : memref<10001x16xf32, #tpu.memory_space<vmem_shared>> -> memref<10001x16xf32, #tpu.memory_space<vmem_shared>>
    tpu.enqueue_indirect_dma source(%dma_start3A_48 : memref<10001x16xf32, #tpu.memory_space<vmem_shared>>) target(%arg9 : memref<416x16xf32, #tpu.memory_space<vmem>>) offsets(%dma_start3A_45 : memref<416xi32, #tpu.memory_space<vmem>>) semaphore(%arg17 : memref<!tpu.dma_semaphore, #tpu.memory_space<semaphore_mem>>)
    %dma_start3A_49 = arith.constant 0 : i32
    %dma_start3A_50 = tpu.memref_slice %arg8[%dma_start3A_49] : memref<13312xi32, #tpu.memory_space<vmem>> -> memref<416xi32, #tpu.memory_space<vmem>>
    %dma_start3A_51 = arith.constant 0 : i32
    %dma_start3A_52 = arith.constant 0 : i32
    %dma_start3A_53 = tpu.memref_slice %arg16[%dma_start3A_51, %dma_start3A_52] : memref<100x16xf32, #tpu.memory_space<vmem_shared>> -> memref<100x16xf32, #tpu.memory_space<vmem_shared>>
    tpu.enqueue_indirect_dma source(%dma_start3A_53 : memref<100x16xf32, #tpu.memory_space<vmem_shared>>) target(%arg10 : memref<416x16xf32, #tpu.memory_space<vmem>>) offsets(%dma_start3A_50 : memref<416xi32, #tpu.memory_space<vmem>>) semaphore(%arg17 : memref<!tpu.dma_semaphore, #tpu.memory_space<semaphore_mem>>)
    %scan3A_54 = arith.constant 0 : i32
    %scan3A_55 = arith.constant 0 : i32
    %scan3A_56 = arith.constant 16 : i32
    %scan3A_57 = arith.addi %scan3A_55, %scan3A_56 : i32
    %scan3A_58 = arith.constant 1 : i32
    scf.for %scan3A_90 = %scan3A_55 to %scan3A_57 step %scan3A_58  : i32 {
      %mul3A_91 = arith.constant 2 : i32
      %mul3A_92 = arith.muli %mul3A_91, %scan3A_90 : i32
      %add3A_93 = arith.constant 1 : i32
      %add3A_94 = arith.addi %mul3A_92, %add3A_93 : i32
      %mul3A_95 = arith.constant 416 : i32
      %mul3A_96 = arith.muli %add3A_94, %mul3A_95 : i32
      %dma_start3A_97 = tpu.memref_slice %arg7[%mul3A_96] : memref<13312xi32, #tpu.memory_space<vmem>> -> memref<416xi32, #tpu.memory_space<vmem>>
      %dma_start3A_98 = arith.constant 0 : i32
      %dma_start3A_99 = arith.constant 0 : i32
      %dma_start3A_100 = tpu.memref_slice %arg15[%dma_start3A_98, %dma_start3A_99] : memref<10001x16xf32, #tpu.memory_space<vmem_shared>> -> memref<10001x16xf32, #tpu.memory_space<vmem_shared>>
      tpu.enqueue_indirect_dma source(%dma_start3A_100 : memref<10001x16xf32, #tpu.memory_space<vmem_shared>>) target(%arg11 : memref<416x16xf32, #tpu.memory_space<vmem>>) offsets(%dma_start3A_97 : memref<416xi32, #tpu.memory_space<vmem>>) semaphore(%arg18 : memref<!tpu.dma_semaphore, #tpu.memory_space<semaphore_mem>>)
      %mul3A_101 = arith.constant 416 : i32
      %mul3A_102 = arith.muli %add3A_94, %mul3A_101 : i32
      %dma_start3A_103 = tpu.memref_slice %arg8[%mul3A_102] : memref<13312xi32, #tpu.memory_space<vmem>> -> memref<416xi32, #tpu.memory_space<vmem>>
      %dma_start3A_104 = arith.constant 0 : i32
      %dma_start3A_105 = arith.constant 0 : i32
      %dma_start3A_106 = tpu.memref_slice %arg16[%dma_start3A_104, %dma_start3A_105] : memref<100x16xf32, #tpu.memory_space<vmem_shared>> -> memref<100x16xf32, #tpu.memory_space<vmem_shared>>
      tpu.enqueue_indirect_dma source(%dma_start3A_106 : memref<100x16xf32, #tpu.memory_space<vmem_shared>>) target(%arg12 : memref<416x16xf32, #tpu.memory_space<vmem>>) offsets(%dma_start3A_103 : memref<416xi32, #tpu.memory_space<vmem>>) semaphore(%arg18 : memref<!tpu.dma_semaphore, #tpu.memory_space<semaphore_mem>>)
      %dma_wait3A_107 = arith.constant 0 : i32
      %dma_wait3A_108 = tpu.memref_slice %arg7[%dma_wait3A_107] : memref<13312xi32, #tpu.memory_space<vmem>> -> memref<416xi32, #tpu.memory_space<vmem>>
      %dma_wait3A_109 = arith.constant 0 : i32
      %dma_wait3A_110 = arith.constant 0 : i32
      %dma_wait3A_111 = tpu.memref_slice %arg15[%dma_wait3A_109, %dma_wait3A_110] : memref<10001x16xf32, #tpu.memory_space<vmem_shared>> -> memref<10001x16xf32, #tpu.memory_space<vmem_shared>>
      tpu.wait_indirect_dma semaphore(%arg17 : memref<!tpu.dma_semaphore, #tpu.memory_space<semaphore_mem>>) src(%dma_wait3A_111 : memref<10001x16xf32, #tpu.memory_space<vmem_shared>>) dst(%arg9 : memref<416x16xf32, #tpu.memory_space<vmem>>)
      %dma_wait3A_112 = arith.constant 0 : i32
      %dma_wait3A_113 = tpu.memref_slice %arg8[%dma_wait3A_112] : memref<13312xi32, #tpu.memory_space<vmem>> -> memref<416xi32, #tpu.memory_space<vmem>>
      %dma_wait3A_114 = arith.constant 0 : i32
      %dma_wait3A_115 = arith.constant 0 : i32
      %dma_wait3A_116 = tpu.memref_slice %arg16[%dma_wait3A_114, %dma_wait3A_115] : memref<100x16xf32, #tpu.memory_space<vmem_shared>> -> memref<100x16xf32, #tpu.memory_space<vmem_shared>>
      tpu.wait_indirect_dma semaphore(%arg17 : memref<!tpu.dma_semaphore, #tpu.memory_space<semaphore_mem>>) src(%dma_wait3A_116 : memref<100x16xf32, #tpu.memory_space<vmem_shared>>) dst(%arg10 : memref<416x16xf32, #tpu.memory_space<vmem>>)
      %gt3A = arith.constant 0 : i32
      %gt3A_117 = arith.cmpi sgt, %scan3A_90, %gt3A : i32
      %convert_element_type3A_118 = arith.extui %gt3A_117 : i1 to i32
      %cond3A_119 = arith.constant 0 : i32
      %cond3A_120 = arith.cmpi ne, %convert_element_type3A_118, %cond3A_119 : i32
      scf.if %cond3A_120 {
        %add3A_188 = arith.constant 0 : i32
        %add3A_189 = arith.addi %mul3A_2, %add3A_188 : i32
        %div3A_190 = arith.constant 128 : i32
        %div3A_191 = arith.divsi %add3A_189, %div3A_190 : i32
        %rem3A_192 = arith.constant 128 : i32
        %rem3A_193 = arith.remsi %add3A_189, %rem3A_192 : i32
        %dma_wait3A_194 = arith.constant 0 : i32
        %dma_wait3A_195 = arith.constant 0 : i32
        %dma_wait3A_196 = arith.constant 0 : i32
        %dma_wait3A_197 = tpu.memref_slice %arg5[%dma_wait3A_194, %dma_wait3A_195, %div3A_191, %dma_wait3A_196, %rem3A_193] : memref<26x2x128x8x128xf32, #tpu.memory_space<hbm>> -> memref<26x2x1x8x16xf32, #tpu.memory_space<hbm>>
        %dma_wait3A_198 = tpu.memref_squeeze %dma_wait3A_197 : memref<26x2x1x8x16xf32, #tpu.memory_space<hbm>> -> memref<26x2x8x16xf32, #tpu.memory_space<hbm>>
        %dma_wait3A_199 = arith.constant 0 : i32
        %dma_wait3A_200 = arith.constant 0 : i32
        %dma_wait3A_201 = arith.constant 0 : i32
        %dma_wait3A_202 = tpu.memref_slice %arg5[%dma_wait3A_199, %dma_wait3A_200, %div3A_191, %dma_wait3A_201, %rem3A_193] : memref<26x2x128x8x128xf32, #tpu.memory_space<hbm>> -> memref<26x2x1x8x16xf32, #tpu.memory_space<hbm>>
        %dma_wait3A_203 = tpu.memref_squeeze %dma_wait3A_202 : memref<26x2x1x8x16xf32, #tpu.memory_space<hbm>> -> memref<26x2x8x16xf32, #tpu.memory_space<hbm>>
        tpu.wait_dma2 semaphore(%arg19 : memref<!tpu.dma_semaphore, #tpu.memory_space<semaphore_mem>>) src(%arg13 : memref<26x2x8x16xf32, #tpu.memory_space<vmem>>) dst(%dma_wait3A_203 : memref<26x2x8x16xf32, #tpu.memory_space<hbm>>)
      } else {
      }
      %scan3A_121 = arith.constant 0 : i32
      %scan3A_122 = arith.constant 0 : i32
      %scan3A_123 = arith.constant 26 : i32
      %scan3A_124 = arith.addi %scan3A_122, %scan3A_123 : i32
      %scan3A_125 = arith.constant 1 : i32
      scf.for %scan3A_188 = %scan3A_122 to %scan3A_124 step %scan3A_125  : i32 {
        %broadcast_in_dim3A_189 = vector.broadcast %scan3A_188 : i32 to vector<16xi32>
        %mul3A_190 = arith.constant 16 : i32
        %mul3A_191 = arith.muli %scan3A_188, %mul3A_190 : i32
        %add3A_192 = arith.constant 0 : i32
        %add3A_193 = arith.addi %mul3A_191, %add3A_192 : i32
        %get3A = arith.index_cast %add3A_193 : i32 to index
        %get3A_194 = arith.constant 0 : index
        %get3A_195 = tpu.vector_load %arg9[%get3A, %get3A_194] {strides = array<i32>} : memref<416x16xf32, #tpu.memory_space<vmem>>, vector<16xf32>,
        %get3A_196 = arith.index_cast %add3A_193 : i32 to index
        %get3A_197 = arith.constant 0 : index
        %get3A_198 = tpu.vector_load %arg10[%get3A_196, %get3A_197] {strides = array<i32>} : memref<416x16xf32, #tpu.memory_space<vmem>>, vector<16xf32>,
        %mul3A_199 = arith.mulf %get3A_195, %get3A_198 : vector<16xf32>
        tpu.vector_store_idx %arg13[%broadcast_in_dim3A_189, %shift_right_logical3A_11, %rem3A_13, %broadcast_in_dim3A_14], %mul3A_199 : memref<26x2x8x16xf32, #tpu.memory_space<vmem>>[vector<16xi32>, vector<16xi32>, vector<16xi32>, vector<16xi32>], vector<16xf32>,
        %mul3A_200 = arith.constant 16 : i32
        %mul3A_201 = arith.muli %scan3A_188, %mul3A_200 : i32
        %add3A_202 = arith.constant 1 : i32
        %add3A_203 = arith.addi %mul3A_201, %add3A_202 : i32
        %get3A_204 = arith.index_cast %add3A_203 : i32 to index
        %get3A_205 = arith.constant 0 : index
        %get3A_206 = tpu.vector_load %arg9[%get3A_204, %get3A_205] {strides = array<i32>} : memref<416x16xf32, #tpu.memory_space<vmem>>, vector<16xf32>,
        %get3A_207 = arith.index_cast %add3A_203 : i32 to index
        %get3A_208 = arith.constant 0 : index
        %get3A_209 = tpu.vector_load %arg10[%get3A_207, %get3A_208] {strides = array<i32>} : memref<416x16xf32, #tpu.memory_space<vmem>>, vector<16xf32>,
        %mul3A_210 = arith.mulf %get3A_206, %get3A_209 : vector<16xf32>
        tpu.vector_store_idx %arg13[%broadcast_in_dim3A_189, %shift_right_logical3A_11, %rem3A_13, %broadcast_in_dim3A_16], %mul3A_210 : memref<26x2x8x16xf32, #tpu.memory_space<vmem>>[vector<16xi32>, vector<16xi32>, vector<16xi32>, vector<16xi32>], vector<16xf32>,
        %mul3A_211 = arith.constant 16 : i32
        %mul3A_212 = arith.muli %scan3A_188, %mul3A_211 : i32
        %add3A_213 = arith.constant 2 : i32
        %add3A_214 = arith.addi %mul3A_212, %add3A_213 : i32
        %get3A_215 = arith.index_cast %add3A_214 : i32 to index
        %get3A_216 = arith.constant 0 : index
        %get3A_217 = tpu.vector_load %arg9[%get3A_215, %get3A_216] {strides = array<i32>} : memref<416x16xf32, #tpu.memory_space<vmem>>, vector<16xf32>,
        %get3A_218 = arith.index_cast %add3A_214 : i32 to index
        %get3A_219 = arith.constant 0 : index
        %get3A_220 = tpu.vector_load %arg10[%get3A_218, %get3A_219] {strides = array<i32>} : memref<416x16xf32, #tpu.memory_space<vmem>>, vector<16xf32>,
        %mul3A_221 = arith.mulf %get3A_217, %get3A_220 : vector<16xf32>
        tpu.vector_store_idx %arg13[%broadcast_in_dim3A_189, %shift_right_logical3A_11, %rem3A_13, %broadcast_in_dim3A_18], %mul3A_221 : memref<26x2x8x16xf32, #tpu.memory_space<vmem>>[vector<16xi32>, vector<16xi32>, vector<16xi32>, vector<16xi32>], vector<16xf32>,
        %mul3A_222 = arith.constant 16 : i32
        %mul3A_223 = arith.muli %scan3A_188, %mul3A_222 : i32
        %add3A_224 = arith.constant 3 : i32
        %add3A_225 = arith.addi %mul3A_223, %add3A_224 : i32
        %get3A_226 = arith.index_cast %add3A_225 : i32 to index
        %get3A_227 = arith.constant 0 : index
        %get3A_228 = tpu.vector_load %arg9[%get3A_226, %get3A_227] {strides = array<i32>} : memref<416x16xf32, #tpu.memory_space<vmem>>, vector<16xf32>,
        %get3A_229 = arith.index_cast %add3A_225 : i32 to index
        %get3A_230 = arith.constant 0 : index
        %get3A_231 = tpu.vector_load %arg10[%get3A_229, %get3A_230] {strides = array<i32>} : memref<416x16xf32, #tpu.memory_space<vmem>>, vector<16xf32>,
        %mul3A_232 = arith.mulf %get3A_228, %get3A_231 : vector<16xf32>
        tpu.vector_store_idx %arg13[%broadcast_in_dim3A_189, %shift_right_logical3A_11, %rem3A_13, %broadcast_in_dim3A_20], %mul3A_232 : memref<26x2x8x16xf32, #tpu.memory_space<vmem>>[vector<16xi32>, vector<16xi32>, vector<16xi32>, vector<16xi32>], vector<16xf32>,
        %mul3A_233 = arith.constant 16 : i32
        %mul3A_234 = arith.muli %scan3A_188, %mul3A_233 : i32
        %add3A_235 = arith.constant 4 : i32
        %add3A_236 = arith.addi %mul3A_234, %add3A_235 : i32
        %get3A_237 = arith.index_cast %add3A_236 : i32 to index
        %get3A_238 = arith.constant 0 : index
        %get3A_239 = tpu.vector_load %arg9[%get3A_237, %get3A_238] {strides = array<i32>} : memref<416x16xf32, #tpu.memory_space<vmem>>, vector<16xf32>,
        %get3A_240 = arith.index_cast %add3A_236 : i32 to index
        %get3A_241 = arith.constant 0 : index
        %get3A_242 = tpu.vector_load %arg10[%get3A_240, %get3A_241] {strides = array<i32>} : memref<416x16xf32, #tpu.memory_space<vmem>>, vector<16xf32>,
        %mul3A_243 = arith.mulf %get3A_239, %get3A_242 : vector<16xf32>
        tpu.vector_store_idx %arg13[%broadcast_in_dim3A_189, %shift_right_logical3A_11, %rem3A_13, %broadcast_in_dim3A_22], %mul3A_243 : memref<26x2x8x16xf32, #tpu.memory_space<vmem>>[vector<16xi32>, vector<16xi32>, vector<16xi32>, vector<16xi32>], vector<16xf32>,
        %mul3A_244 = arith.constant 16 : i32
        %mul3A_245 = arith.muli %scan3A_188, %mul3A_244 : i32
        %add3A_246 = arith.constant 5 : i32
        %add3A_247 = arith.addi %mul3A_245, %add3A_246 : i32
        %get3A_248 = arith.index_cast %add3A_247 : i32 to index
        %get3A_249 = arith.constant 0 : index
        %get3A_250 = tpu.vector_load %arg9[%get3A_248, %get3A_249] {strides = array<i32>} : memref<416x16xf32, #tpu.memory_space<vmem>>, vector<16xf32>,
        %get3A_251 = arith.index_cast %add3A_247 : i32 to index
        %get3A_252 = arith.constant 0 : index
        %get3A_253 = tpu.vector_load %arg10[%get3A_251, %get3A_252] {strides = array<i32>} : memref<416x16xf32, #tpu.memory_space<vmem>>, vector<16xf32>,
        %mul3A_254 = arith.mulf %get3A_250, %get3A_253 : vector<16xf32>
        tpu.vector_store_idx %arg13[%broadcast_in_dim3A_189, %shift_right_logical3A_11, %rem3A_13, %broadcast_in_dim3A_24], %mul3A_254 : memref<26x2x8x16xf32, #tpu.memory_space<vmem>>[vector<16xi32>, vector<16xi32>, vector<16xi32>, vector<16xi32>], vector<16xf32>,
        %mul3A_255 = arith.constant 16 : i32
        %mul3A_256 = arith.muli %scan3A_188, %mul3A_255 : i32
        %add3A_257 = arith.constant 6 : i32
        %add3A_258 = arith.addi %mul3A_256, %add3A_257 : i32
        %get3A_259 = arith.index_cast %add3A_258 : i32 to index
        %get3A_260 = arith.constant 0 : index
        %get3A_261 = tpu.vector_load %arg9[%get3A_259, %get3A_260] {strides = array<i32>} : memref<416x16xf32, #tpu.memory_space<vmem>>, vector<16xf32>,
        %get3A_262 = arith.index_cast %add3A_258 : i32 to index
        %get3A_263 = arith.constant 0 : index
        %get3A_264 = tpu.vector_load %arg10[%get3A_262, %get3A_263] {strides = array<i32>} : memref<416x16xf32, #tpu.memory_space<vmem>>, vector<16xf32>,
        %mul3A_265 = arith.mulf %get3A_261, %get3A_264 : vector<16xf32>
        tpu.vector_store_idx %arg13[%broadcast_in_dim3A_189, %shift_right_logical3A_11, %rem3A_13, %broadcast_in_dim3A_26], %mul3A_265 : memref<26x2x8x16xf32, #tpu.memory_space<vmem>>[vector<16xi32>, vector<16xi32>, vector<16xi32>, vector<16xi32>], vector<16xf32>,
        %mul3A_266 = arith.constant 16 : i32
        %mul3A_267 = arith.muli %scan3A_188, %mul3A_266 : i32
        %add3A_268 = arith.constant 7 : i32
        %add3A_269 = arith.addi %mul3A_267, %add3A_268 : i32
        %get3A_270 = arith.index_cast %add3A_269 : i32 to index
        %get3A_271 = arith.constant 0 : index
        %get3A_272 = tpu.vector_load %arg9[%get3A_270, %get3A_271] {strides = array<i32>} : memref<416x16xf32, #tpu.memory_space<vmem>>, vector<16xf32>,
        %get3A_273 = arith.index_cast %add3A_269 : i32 to index
        %get3A_274 = arith.constant 0 : index
        %get3A_275 = tpu.vector_load %arg10[%get3A_273, %get3A_274] {strides = array<i32>} : memref<416x16xf32, #tpu.memory_space<vmem>>, vector<16xf32>,
        %mul3A_276 = arith.mulf %get3A_272, %get3A_275 : vector<16xf32>
        tpu.vector_store_idx %arg13[%broadcast_in_dim3A_189, %shift_right_logical3A_11, %rem3A_13, %broadcast_in_dim3A_28], %mul3A_276 : memref<26x2x8x16xf32, #tpu.memory_space<vmem>>[vector<16xi32>, vector<16xi32>, vector<16xi32>, vector<16xi32>], vector<16xf32>,
        %mul3A_277 = arith.constant 16 : i32
        %mul3A_278 = arith.muli %scan3A_188, %mul3A_277 : i32
        %add3A_279 = arith.constant 8 : i32
        %add3A_280 = arith.addi %mul3A_278, %add3A_279 : i32
        %get3A_281 = arith.index_cast %add3A_280 : i32 to index
        %get3A_282 = arith.constant 0 : index
        %get3A_283 = tpu.vector_load %arg9[%get3A_281, %get3A_282] {strides = array<i32>} : memref<416x16xf32, #tpu.memory_space<vmem>>, vector<16xf32>,
        %get3A_284 = arith.index_cast %add3A_280 : i32 to index
        %get3A_285 = arith.constant 0 : index
        %get3A_286 = tpu.vector_load %arg10[%get3A_284, %get3A_285] {strides = array<i32>} : memref<416x16xf32, #tpu.memory_space<vmem>>, vector<16xf32>,
        %mul3A_287 = arith.mulf %get3A_283, %get3A_286 : vector<16xf32>
        tpu.vector_store_idx %arg13[%broadcast_in_dim3A_189, %shift_right_logical3A_11, %rem3A_13, %broadcast_in_dim3A_30], %mul3A_287 : memref<26x2x8x16xf32, #tpu.memory_space<vmem>>[vector<16xi32>, vector<16xi32>, vector<16xi32>, vector<16xi32>], vector<16xf32>,
        %mul3A_288 = arith.constant 16 : i32
        %mul3A_289 = arith.muli %scan3A_188, %mul3A_288 : i32
        %add3A_290 = arith.constant 9 : i32
        %add3A_291 = arith.addi %mul3A_289, %add3A_290 : i32
        %get3A_292 = arith.index_cast %add3A_291 : i32 to index
        %get3A_293 = arith.constant 0 : index
        %get3A_294 = tpu.vector_load %arg9[%get3A_292, %get3A_293] {strides = array<i32>} : memref<416x16xf32, #tpu.memory_space<vmem>>, vector<16xf32>,
        %get3A_295 = arith.index_cast %add3A_291 : i32 to index
        %get3A_296 = arith.constant 0 : index
        %get3A_297 = tpu.vector_load %arg10[%get3A_295, %get3A_296] {strides = array<i32>} : memref<416x16xf32, #tpu.memory_space<vmem>>, vector<16xf32>,
        %mul3A_298 = arith.mulf %get3A_294, %get3A_297 : vector<16xf32>
        tpu.vector_store_idx %arg13[%broadcast_in_dim3A_189, %shift_right_logical3A_11, %rem3A_13, %broadcast_in_dim3A_32], %mul3A_298 : memref<26x2x8x16xf32, #tpu.memory_space<vmem>>[vector<16xi32>, vector<16xi32>, vector<16xi32>, vector<16xi32>], vector<16xf32>,
        %mul3A_299 = arith.constant 16 : i32
        %mul3A_300 = arith.muli %scan3A_188, %mul3A_299 : i32
        %add3A_301 = arith.constant 10 : i32
        %add3A_302 = arith.addi %mul3A_300, %add3A_301 : i32
        %get3A_303 = arith.index_cast %add3A_302 : i32 to index
        %get3A_304 = arith.constant 0 : index
        %get3A_305 = tpu.vector_load %arg9[%get3A_303, %get3A_304] {strides = array<i32>} : memref<416x16xf32, #tpu.memory_space<vmem>>, vector<16xf32>,
        %get3A_306 = arith.index_cast %add3A_302 : i32 to index
        %get3A_307 = arith.constant 0 : index
        %get3A_308 = tpu.vector_load %arg10[%get3A_306, %get3A_307] {strides = array<i32>} : memref<416x16xf32, #tpu.memory_space<vmem>>, vector<16xf32>,
        %mul3A_309 = arith.mulf %get3A_305, %get3A_308 : vector<16xf32>
        tpu.vector_store_idx %arg13[%broadcast_in_dim3A_189, %shift_right_logical3A_11, %rem3A_13, %broadcast_in_dim3A_34], %mul3A_309 : memref<26x2x8x16xf32, #tpu.memory_space<vmem>>[vector<16xi32>, vector<16xi32>, vector<16xi32>, vector<16xi32>], vector<16xf32>,
        %mul3A_310 = arith.constant 16 : i32
        %mul3A_311 = arith.muli %scan3A_188, %mul3A_310 : i32
        %add3A_312 = arith.constant 11 : i32
        %add3A_313 = arith.addi %mul3A_311, %add3A_312 : i32
        %get3A_314 = arith.index_cast %add3A_313 : i32 to index
        %get3A_315 = arith.constant 0 : index
        %get3A_316 = tpu.vector_load %arg9[%get3A_314, %get3A_315] {strides = array<i32>} : memref<416x16xf32, #tpu.memory_space<vmem>>, vector<16xf32>,
        %get3A_317 = arith.index_cast %add3A_313 : i32 to index
        %get3A_318 = arith.constant 0 : index
        %get3A_319 = tpu.vector_load %arg10[%get3A_317, %get3A_318] {strides = array<i32>} : memref<416x16xf32, #tpu.memory_space<vmem>>, vector<16xf32>,
        %mul3A_320 = arith.mulf %get3A_316, %get3A_319 : vector<16xf32>
        tpu.vector_store_idx %arg13[%broadcast_in_dim3A_189, %shift_right_logical3A_11, %rem3A_13, %broadcast_in_dim3A_36], %mul3A_320 : memref<26x2x8x16xf32, #tpu.memory_space<vmem>>[vector<16xi32>, vector<16xi32>, vector<16xi32>, vector<16xi32>], vector<16xf32>,
        %mul3A_321 = arith.constant 16 : i32
        %mul3A_322 = arith.muli %scan3A_188, %mul3A_321 : i32
        %add3A_323 = arith.constant 12 : i32
        %add3A_324 = arith.addi %mul3A_322, %add3A_323 : i32
        %get3A_325 = arith.index_cast %add3A_324 : i32 to index
        %get3A_326 = arith.constant 0 : index
        %get3A_327 = tpu.vector_load %arg9[%get3A_325, %get3A_326] {strides = array<i32>} : memref<416x16xf32, #tpu.memory_space<vmem>>, vector<16xf32>,
        %get3A_328 = arith.index_cast %add3A_324 : i32 to index
        %get3A_329 = arith.constant 0 : index
        %get3A_330 = tpu.vector_load %arg10[%get3A_328, %get3A_329] {strides = array<i32>} : memref<416x16xf32, #tpu.memory_space<vmem>>, vector<16xf32>,
        %mul3A_331 = arith.mulf %get3A_327, %get3A_330 : vector<16xf32>
        tpu.vector_store_idx %arg13[%broadcast_in_dim3A_189, %shift_right_logical3A_11, %rem3A_13, %broadcast_in_dim3A_38], %mul3A_331 : memref<26x2x8x16xf32, #tpu.memory_space<vmem>>[vector<16xi32>, vector<16xi32>, vector<16xi32>, vector<16xi32>], vector<16xf32>,
        %mul3A_332 = arith.constant 16 : i32
        %mul3A_333 = arith.muli %scan3A_188, %mul3A_332 : i32
        %add3A_334 = arith.constant 13 : i32
        %add3A_335 = arith.addi %mul3A_333, %add3A_334 : i32
        %get3A_336 = arith.index_cast %add3A_335 : i32 to index
        %get3A_337 = arith.constant 0 : index
        %get3A_338 = tpu.vector_load %arg9[%get3A_336, %get3A_337] {strides = array<i32>} : memref<416x16xf32, #tpu.memory_space<vmem>>, vector<16xf32>,
        %get3A_339 = arith.index_cast %add3A_335 : i32 to index
        %get3A_340 = arith.constant 0 : index
        %get3A_341 = tpu.vector_load %arg10[%get3A_339, %get3A_340] {strides = array<i32>} : memref<416x16xf32, #tpu.memory_space<vmem>>, vector<16xf32>,
        %mul3A_342 = arith.mulf %get3A_338, %get3A_341 : vector<16xf32>
        tpu.vector_store_idx %arg13[%broadcast_in_dim3A_189, %shift_right_logical3A_11, %rem3A_13, %broadcast_in_dim3A_40], %mul3A_342 : memref<26x2x8x16xf32, #tpu.memory_space<vmem>>[vector<16xi32>, vector<16xi32>, vector<16xi32>, vector<16xi32>], vector<16xf32>,
        %mul3A_343 = arith.constant 16 : i32
        %mul3A_344 = arith.muli %scan3A_188, %mul3A_343 : i32
        %add3A_345 = arith.constant 14 : i32
        %add3A_346 = arith.addi %mul3A_344, %add3A_345 : i32
        %get3A_347 = arith.index_cast %add3A_346 : i32 to index
        %get3A_348 = arith.constant 0 : index
        %get3A_349 = tpu.vector_load %arg9[%get3A_347, %get3A_348] {strides = array<i32>} : memref<416x16xf32, #tpu.memory_space<vmem>>, vector<16xf32>,
        %get3A_350 = arith.index_cast %add3A_346 : i32 to index
        %get3A_351 = arith.constant 0 : index
        %get3A_352 = tpu.vector_load %arg10[%get3A_350, %get3A_351] {strides = array<i32>} : memref<416x16xf32, #tpu.memory_space<vmem>>, vector<16xf32>,
        %mul3A_353 = arith.mulf %get3A_349, %get3A_352 : vector<16xf32>
        tpu.vector_store_idx %arg13[%broadcast_in_dim3A_189, %shift_right_logical3A_11, %rem3A_13, %broadcast_in_dim3A_42], %mul3A_353 : memref<26x2x8x16xf32, #tpu.memory_space<vmem>>[vector<16xi32>, vector<16xi32>, vector<16xi32>, vector<16xi32>], vector<16xf32>,
        %mul3A_354 = arith.constant 16 : i32
        %mul3A_355 = arith.muli %scan3A_188, %mul3A_354 : i32
        %add3A_356 = arith.constant 15 : i32
        %add3A_357 = arith.addi %mul3A_355, %add3A_356 : i32
        %get3A_358 = arith.index_cast %add3A_357 : i32 to index
        %get3A_359 = arith.constant 0 : index
        %get3A_360 = tpu.vector_load %arg9[%get3A_358, %get3A_359] {strides = array<i32>} : memref<416x16xf32, #tpu.memory_space<vmem>>, vector<16xf32>,
        %get3A_361 = arith.index_cast %add3A_357 : i32 to index
        %get3A_362 = arith.constant 0 : index
        %get3A_363 = tpu.vector_load %arg10[%get3A_361, %get3A_362] {strides = array<i32>} : memref<416x16xf32, #tpu.memory_space<vmem>>, vector<16xf32>,
        %mul3A_364 = arith.mulf %get3A_360, %get3A_363 : vector<16xf32>
        tpu.vector_store_idx %arg13[%broadcast_in_dim3A_189, %shift_right_logical3A_11, %rem3A_13, %broadcast_in_dim3A_44], %mul3A_364 : memref<26x2x8x16xf32, #tpu.memory_space<vmem>>[vector<16xi32>, vector<16xi32>, vector<16xi32>, vector<16xi32>], vector<16xf32>,
      }
      %scan3A_126 = arith.constant 26 : i32
      %mul3A_127 = arith.constant 16 : i32
      %mul3A_128 = arith.muli %mul3A_92, %mul3A_127 : i32
      %add3A_129 = arith.addi %mul3A_2, %mul3A_128 : i32
      %div3A_130 = arith.constant 128 : i32
      %div3A_131 = arith.divsi %add3A_129, %div3A_130 : i32
      %rem3A_132 = arith.constant 128 : i32
      %rem3A_133 = arith.remsi %add3A_129, %rem3A_132 : i32
      %dma_start3A_134 = arith.constant 0 : i32
      %dma_start3A_135 = arith.constant 0 : i32
      %dma_start3A_136 = arith.constant 0 : i32
      %dma_start3A_137 = tpu.memref_slice %arg5[%dma_start3A_134, %dma_start3A_135, %div3A_131, %dma_start3A_136, %rem3A_133] : memref<26x2x128x8x128xf32, #tpu.memory_space<hbm>> -> memref<26x2x1x8x16xf32, #tpu.memory_space<hbm>>
      %dma_start3A_138 = tpu.memref_squeeze %dma_start3A_137 : memref<26x2x1x8x16xf32, #tpu.memory_space<hbm>> -> memref<26x2x8x16xf32, #tpu.memory_space<hbm>>
      %dma_start3A_139 = arith.constant 0 : i32
      %dma_start3A_140 = arith.constant 0 : i32
      %dma_start3A_141 = arith.constant 0 : i32
      %dma_start3A_142 = tpu.memref_slice %arg5[%dma_start3A_139, %dma_start3A_140, %div3A_131, %dma_start3A_141, %rem3A_133] : memref<26x2x128x8x128xf32, #tpu.memory_space<hbm>> -> memref<26x2x1x8x16xf32, #tpu.memory_space<hbm>>
      %dma_start3A_143 = tpu.memref_squeeze %dma_start3A_142 : memref<26x2x1x8x16xf32, #tpu.memory_space<hbm>> -> memref<26x2x8x16xf32, #tpu.memory_space<hbm>>
      tpu.enqueue_dma source(%arg13 : memref<26x2x8x16xf32, #tpu.memory_space<vmem>>) target(%dma_start3A_143 : memref<26x2x8x16xf32, #tpu.memory_space<hbm>>) target_semaphore(%arg19 : memref<!tpu.dma_semaphore, #tpu.memory_space<semaphore_mem>>)
      %lt3A = arith.constant 15 : i32
      %lt3A_144 = arith.cmpi slt, %scan3A_90, %lt3A : i32
      %convert_element_type3A_145 = arith.extui %lt3A_144 : i1 to i32
      %cond3A_146 = arith.constant 0 : i32
      %cond3A_147 = arith.cmpi ne, %convert_element_type3A_145, %cond3A_146 : i32
      scf.if %cond3A_147 {
        %add3A_188 = arith.constant 2 : i32
        %add3A_189 = arith.addi %mul3A_92, %add3A_188 : i32
        %mul3A_190 = arith.constant 416 : i32
        %mul3A_191 = arith.muli %add3A_189, %mul3A_190 : i32
        %dma_start3A_192 = tpu.memref_slice %arg7[%mul3A_191] : memref<13312xi32, #tpu.memory_space<vmem>> -> memref<416xi32, #tpu.memory_space<vmem>>
        %dma_start3A_193 = arith.constant 0 : i32
        %dma_start3A_194 = arith.constant 0 : i32
        %dma_start3A_195 = tpu.memref_slice %arg15[%dma_start3A_193, %dma_start3A_194] : memref<10001x16xf32, #tpu.memory_space<vmem_shared>> -> memref<10001x16xf32, #tpu.memory_space<vmem_shared>>
        tpu.enqueue_indirect_dma source(%dma_start3A_195 : memref<10001x16xf32, #tpu.memory_space<vmem_shared>>) target(%arg9 : memref<416x16xf32, #tpu.memory_space<vmem>>) offsets(%dma_start3A_192 : memref<416xi32, #tpu.memory_space<vmem>>) semaphore(%arg17 : memref<!tpu.dma_semaphore, #tpu.memory_space<semaphore_mem>>)
        %mul3A_196 = arith.constant 416 : i32
        %mul3A_197 = arith.muli %add3A_189, %mul3A_196 : i32
        %dma_start3A_198 = tpu.memref_slice %arg8[%mul3A_197] : memref<13312xi32, #tpu.memory_space<vmem>> -> memref<416xi32, #tpu.memory_space<vmem>>
        %dma_start3A_199 = arith.constant 0 : i32
        %dma_start3A_200 = arith.constant 0 : i32
        %dma_start3A_201 = tpu.memref_slice %arg16[%dma_start3A_199, %dma_start3A_200] : memref<100x16xf32, #tpu.memory_space<vmem_shared>> -> memref<100x16xf32, #tpu.memory_space<vmem_shared>>
        tpu.enqueue_indirect_dma source(%dma_start3A_201 : memref<100x16xf32, #tpu.memory_space<vmem_shared>>) target(%arg10 : memref<416x16xf32, #tpu.memory_space<vmem>>) offsets(%dma_start3A_198 : memref<416xi32, #tpu.memory_space<vmem>>) semaphore(%arg17 : memref<!tpu.dma_semaphore, #tpu.memory_space<semaphore_mem>>)
      } else {
      }
      %dma_wait3A_148 = arith.constant 0 : i32
      %dma_wait3A_149 = tpu.memref_slice %arg7[%dma_wait3A_148] : memref<13312xi32, #tpu.memory_space<vmem>> -> memref<416xi32, #tpu.memory_space<vmem>>
      %dma_wait3A_150 = arith.constant 0 : i32
      %dma_wait3A_151 = arith.constant 0 : i32
      %dma_wait3A_152 = tpu.memref_slice %arg15[%dma_wait3A_150, %dma_wait3A_151] : memref<10001x16xf32, #tpu.memory_space<vmem_shared>> -> memref<10001x16xf32, #tpu.memory_space<vmem_shared>>
      tpu.wait_indirect_dma semaphore(%arg18 : memref<!tpu.dma_semaphore, #tpu.memory_space<semaphore_mem>>) src(%dma_wait3A_152 : memref<10001x16xf32, #tpu.memory_space<vmem_shared>>) dst(%arg11 : memref<416x16xf32, #tpu.memory_space<vmem>>)
      %dma_wait3A_153 = arith.constant 0 : i32
      %dma_wait3A_154 = tpu.memref_slice %arg8[%dma_wait3A_153] : memref<13312xi32, #tpu.memory_space<vmem>> -> memref<416xi32, #tpu.memory_space<vmem>>
      %dma_wait3A_155 = arith.constant 0 : i32
      %dma_wait3A_156 = arith.constant 0 : i32
      %dma_wait3A_157 = tpu.memref_slice %arg16[%dma_wait3A_155, %dma_wait3A_156] : memref<100x16xf32, #tpu.memory_space<vmem_shared>> -> memref<100x16xf32, #tpu.memory_space<vmem_shared>>
      tpu.wait_indirect_dma semaphore(%arg18 : memref<!tpu.dma_semaphore, #tpu.memory_space<semaphore_mem>>) src(%dma_wait3A_157 : memref<100x16xf32, #tpu.memory_space<vmem_shared>>) dst(%arg12 : memref<416x16xf32, #tpu.memory_space<vmem>>)
      %gt3A_158 = arith.constant 0 : i32
      %gt3A_159 = arith.cmpi sgt, %scan3A_90, %gt3A_158 : i32
      %convert_element_type3A_160 = arith.extui %gt3A_159 : i1 to i32
      %cond3A_161 = arith.constant 0 : i32
      %cond3A_162 = arith.cmpi ne, %convert_element_type3A_160, %cond3A_161 : i32
      scf.if %cond3A_162 {
        %add3A_188 = arith.constant 0 : i32
        %add3A_189 = arith.addi %mul3A_2, %add3A_188 : i32
        %div3A_190 = arith.constant 128 : i32
        %div3A_191 = arith.divsi %add3A_189, %div3A_190 : i32
        %rem3A_192 = arith.constant 128 : i32
        %rem3A_193 = arith.remsi %add3A_189, %rem3A_192 : i32
        %dma_wait3A_194 = arith.constant 0 : i32
        %dma_wait3A_195 = arith.constant 0 : i32
        %dma_wait3A_196 = arith.constant 0 : i32
        %dma_wait3A_197 = tpu.memref_slice %arg5[%dma_wait3A_194, %dma_wait3A_195, %div3A_191, %dma_wait3A_196, %rem3A_193] : memref<26x2x128x8x128xf32, #tpu.memory_space<hbm>> -> memref<26x2x1x8x16xf32, #tpu.memory_space<hbm>>
        %dma_wait3A_198 = tpu.memref_squeeze %dma_wait3A_197 : memref<26x2x1x8x16xf32, #tpu.memory_space<hbm>> -> memref<26x2x8x16xf32, #tpu.memory_space<hbm>>
        %dma_wait3A_199 = arith.constant 0 : i32
        %dma_wait3A_200 = arith.constant 0 : i32
        %dma_wait3A_201 = arith.constant 0 : i32
        %dma_wait3A_202 = tpu.memref_slice %arg5[%dma_wait3A_199, %dma_wait3A_200, %div3A_191, %dma_wait3A_201, %rem3A_193] : memref<26x2x128x8x128xf32, #tpu.memory_space<hbm>> -> memref<26x2x1x8x16xf32, #tpu.memory_space<hbm>>
        %dma_wait3A_203 = tpu.memref_squeeze %dma_wait3A_202 : memref<26x2x1x8x16xf32, #tpu.memory_space<hbm>> -> memref<26x2x8x16xf32, #tpu.memory_space<hbm>>
        tpu.wait_dma2 semaphore(%arg20 : memref<!tpu.dma_semaphore, #tpu.memory_space<semaphore_mem>>) src(%arg14 : memref<26x2x8x16xf32, #tpu.memory_space<vmem>>) dst(%dma_wait3A_203 : memref<26x2x8x16xf32, #tpu.memory_space<hbm>>)
      } else {
      }
      %scan3A_163 = arith.constant 0 : i32
      %scan3A_164 = arith.constant 0 : i32
      %scan3A_165 = arith.constant 26 : i32
      %scan3A_166 = arith.addi %scan3A_164, %scan3A_165 : i32
      %scan3A_167 = arith.constant 1 : i32
      scf.for %scan3A_188 = %scan3A_164 to %scan3A_166 step %scan3A_167  : i32 {
        %broadcast_in_dim3A_189 = vector.broadcast %scan3A_188 : i32 to vector<16xi32>
        %mul3A_190 = arith.constant 16 : i32
        %mul3A_191 = arith.muli %scan3A_188, %mul3A_190 : i32
        %add3A_192 = arith.constant 0 : i32
        %add3A_193 = arith.addi %mul3A_191, %add3A_192 : i32
        %get3A = arith.index_cast %add3A_193 : i32 to index
        %get3A_194 = arith.constant 0 : index
        %get3A_195 = tpu.vector_load %arg11[%get3A, %get3A_194] {strides = array<i32>} : memref<416x16xf32, #tpu.memory_space<vmem>>, vector<16xf32>,
        %get3A_196 = arith.index_cast %add3A_193 : i32 to index
        %get3A_197 = arith.constant 0 : index
        %get3A_198 = tpu.vector_load %arg12[%get3A_196, %get3A_197] {strides = array<i32>} : memref<416x16xf32, #tpu.memory_space<vmem>>, vector<16xf32>,
        %mul3A_199 = arith.mulf %get3A_195, %get3A_198 : vector<16xf32>
        tpu.vector_store_idx %arg14[%broadcast_in_dim3A_189, %shift_right_logical3A_11, %rem3A_13, %broadcast_in_dim3A_14], %mul3A_199 : memref<26x2x8x16xf32, #tpu.memory_space<vmem>>[vector<16xi32>, vector<16xi32>, vector<16xi32>, vector<16xi32>], vector<16xf32>,
        %mul3A_200 = arith.constant 16 : i32
        %mul3A_201 = arith.muli %scan3A_188, %mul3A_200 : i32
        %add3A_202 = arith.constant 1 : i32
        %add3A_203 = arith.addi %mul3A_201, %add3A_202 : i32
        %get3A_204 = arith.index_cast %add3A_203 : i32 to index
        %get3A_205 = arith.constant 0 : index
        %get3A_206 = tpu.vector_load %arg11[%get3A_204, %get3A_205] {strides = array<i32>} : memref<416x16xf32, #tpu.memory_space<vmem>>, vector<16xf32>,
        %get3A_207 = arith.index_cast %add3A_203 : i32 to index
        %get3A_208 = arith.constant 0 : index
        %get3A_209 = tpu.vector_load %arg12[%get3A_207, %get3A_208] {strides = array<i32>} : memref<416x16xf32, #tpu.memory_space<vmem>>, vector<16xf32>,
        %mul3A_210 = arith.mulf %get3A_206, %get3A_209 : vector<16xf32>
        tpu.vector_store_idx %arg14[%broadcast_in_dim3A_189, %shift_right_logical3A_11, %rem3A_13, %broadcast_in_dim3A_16], %mul3A_210 : memref<26x2x8x16xf32, #tpu.memory_space<vmem>>[vector<16xi32>, vector<16xi32>, vector<16xi32>, vector<16xi32>], vector<16xf32>,
        %mul3A_211 = arith.constant 16 : i32
        %mul3A_212 = arith.muli %scan3A_188, %mul3A_211 : i32
        %add3A_213 = arith.constant 2 : i32
        %add3A_214 = arith.addi %mul3A_212, %add3A_213 : i32
        %get3A_215 = arith.index_cast %add3A_214 : i32 to index
        %get3A_216 = arith.constant 0 : index
        %get3A_217 = tpu.vector_load %arg11[%get3A_215, %get3A_216] {strides = array<i32>} : memref<416x16xf32, #tpu.memory_space<vmem>>, vector<16xf32>,
        %get3A_218 = arith.index_cast %add3A_214 : i32 to index
        %get3A_219 = arith.constant 0 : index
        %get3A_220 = tpu.vector_load %arg12[%get3A_218, %get3A_219] {strides = array<i32>} : memref<416x16xf32, #tpu.memory_space<vmem>>, vector<16xf32>,
        %mul3A_221 = arith.mulf %get3A_217, %get3A_220 : vector<16xf32>
        tpu.vector_store_idx %arg14[%broadcast_in_dim3A_189, %shift_right_logical3A_11, %rem3A_13, %broadcast_in_dim3A_18], %mul3A_221 : memref<26x2x8x16xf32, #tpu.memory_space<vmem>>[vector<16xi32>, vector<16xi32>, vector<16xi32>, vector<16xi32>], vector<16xf32>,
        %mul3A_222 = arith.constant 16 : i32
        %mul3A_223 = arith.muli %scan3A_188, %mul3A_222 : i32
        %add3A_224 = arith.constant 3 : i32
        %add3A_225 = arith.addi %mul3A_223, %add3A_224 : i32
        %get3A_226 = arith.index_cast %add3A_225 : i32 to index
        %get3A_227 = arith.constant 0 : index
        %get3A_228 = tpu.vector_load %arg11[%get3A_226, %get3A_227] {strides = array<i32>} : memref<416x16xf32, #tpu.memory_space<vmem>>, vector<16xf32>,
        %get3A_229 = arith.index_cast %add3A_225 : i32 to index
        %get3A_230 = arith.constant 0 : index
        %get3A_231 = tpu.vector_load %arg12[%get3A_229, %get3A_230] {strides = array<i32>} : memref<416x16xf32, #tpu.memory_space<vmem>>, vector<16xf32>,
        %mul3A_232 = arith.mulf %get3A_228, %get3A_231 : vector<16xf32>
        tpu.vector_store_idx %arg14[%broadcast_in_dim3A_189, %shift_right_logical3A_11, %rem3A_13, %broadcast_in_dim3A_20], %mul3A_232 : memref<26x2x8x16xf32, #tpu.memory_space<vmem>>[vector<16xi32>, vector<16xi32>, vector<16xi32>, vector<16xi32>], vector<16xf32>,
        %mul3A_233 = arith.constant 16 : i32
        %mul3A_234 = arith.muli %scan3A_188, %mul3A_233 : i32
        %add3A_235 = arith.constant 4 : i32
        %add3A_236 = arith.addi %mul3A_234, %add3A_235 : i32
        %get3A_237 = arith.index_cast %add3A_236 : i32 to index
        %get3A_238 = arith.constant 0 : index
        %get3A_239 = tpu.vector_load %arg11[%get3A_237, %get3A_238] {strides = array<i32>} : memref<416x16xf32, #tpu.memory_space<vmem>>, vector<16xf32>,
        %get3A_240 = arith.index_cast %add3A_236 : i32 to index
        %get3A_241 = arith.constant 0 : index
        %get3A_242 = tpu.vector_load %arg12[%get3A_240, %get3A_241] {strides = array<i32>} : memref<416x16xf32, #tpu.memory_space<vmem>>, vector<16xf32>,
        %mul3A_243 = arith.mulf %get3A_239, %get3A_242 : vector<16xf32>
        tpu.vector_store_idx %arg14[%broadcast_in_dim3A_189, %shift_right_logical3A_11, %rem3A_13, %broadcast_in_dim3A_22], %mul3A_243 : memref<26x2x8x16xf32, #tpu.memory_space<vmem>>[vector<16xi32>, vector<16xi32>, vector<16xi32>, vector<16xi32>], vector<16xf32>,
        %mul3A_244 = arith.constant 16 : i32
        %mul3A_245 = arith.muli %scan3A_188, %mul3A_244 : i32
        %add3A_246 = arith.constant 5 : i32
        %add3A_247 = arith.addi %mul3A_245, %add3A_246 : i32
        %get3A_248 = arith.index_cast %add3A_247 : i32 to index
        %get3A_249 = arith.constant 0 : index
        %get3A_250 = tpu.vector_load %arg11[%get3A_248, %get3A_249] {strides = array<i32>} : memref<416x16xf32, #tpu.memory_space<vmem>>, vector<16xf32>,
        %get3A_251 = arith.index_cast %add3A_247 : i32 to index
        %get3A_252 = arith.constant 0 : index
        %get3A_253 = tpu.vector_load %arg12[%get3A_251, %get3A_252] {strides = array<i32>} : memref<416x16xf32, #tpu.memory_space<vmem>>, vector<16xf32>,
        %mul3A_254 = arith.mulf %get3A_250, %get3A_253 : vector<16xf32>
        tpu.vector_store_idx %arg14[%broadcast_in_dim3A_189, %shift_right_logical3A_11, %rem3A_13, %broadcast_in_dim3A_24], %mul3A_254 : memref<26x2x8x16xf32, #tpu.memory_space<vmem>>[vector<16xi32>, vector<16xi32>, vector<16xi32>, vector<16xi32>], vector<16xf32>,
        %mul3A_255 = arith.constant 16 : i32
        %mul3A_256 = arith.muli %scan3A_188, %mul3A_255 : i32
        %add3A_257 = arith.constant 6 : i32
        %add3A_258 = arith.addi %mul3A_256, %add3A_257 : i32
        %get3A_259 = arith.index_cast %add3A_258 : i32 to index
        %get3A_260 = arith.constant 0 : index
        %get3A_261 = tpu.vector_load %arg11[%get3A_259, %get3A_260] {strides = array<i32>} : memref<416x16xf32, #tpu.memory_space<vmem>>, vector<16xf32>,
        %get3A_262 = arith.index_cast %add3A_258 : i32 to index
        %get3A_263 = arith.constant 0 : index
        %get3A_264 = tpu.vector_load %arg12[%get3A_262, %get3A_263] {strides = array<i32>} : memref<416x16xf32, #tpu.memory_space<vmem>>, vector<16xf32>,
        %mul3A_265 = arith.mulf %get3A_261, %get3A_264 : vector<16xf32>
        tpu.vector_store_idx %arg14[%broadcast_in_dim3A_189, %shift_right_logical3A_11, %rem3A_13, %broadcast_in_dim3A_26], %mul3A_265 : memref<26x2x8x16xf32, #tpu.memory_space<vmem>>[vector<16xi32>, vector<16xi32>, vector<16xi32>, vector<16xi32>], vector<16xf32>,
        %mul3A_266 = arith.constant 16 : i32
        %mul3A_267 = arith.muli %scan3A_188, %mul3A_266 : i32
        %add3A_268 = arith.constant 7 : i32
        %add3A_269 = arith.addi %mul3A_267, %add3A_268 : i32
        %get3A_270 = arith.index_cast %add3A_269 : i32 to index
        %get3A_271 = arith.constant 0 : index
        %get3A_272 = tpu.vector_load %arg11[%get3A_270, %get3A_271] {strides = array<i32>} : memref<416x16xf32, #tpu.memory_space<vmem>>, vector<16xf32>,
        %get3A_273 = arith.index_cast %add3A_269 : i32 to index
        %get3A_274 = arith.constant 0 : index
        %get3A_275 = tpu.vector_load %arg12[%get3A_273, %get3A_274] {strides = array<i32>} : memref<416x16xf32, #tpu.memory_space<vmem>>, vector<16xf32>,
        %mul3A_276 = arith.mulf %get3A_272, %get3A_275 : vector<16xf32>
        tpu.vector_store_idx %arg14[%broadcast_in_dim3A_189, %shift_right_logical3A_11, %rem3A_13, %broadcast_in_dim3A_28], %mul3A_276 : memref<26x2x8x16xf32, #tpu.memory_space<vmem>>[vector<16xi32>, vector<16xi32>, vector<16xi32>, vector<16xi32>], vector<16xf32>,
        %mul3A_277 = arith.constant 16 : i32
        %mul3A_278 = arith.muli %scan3A_188, %mul3A_277 : i32
        %add3A_279 = arith.constant 8 : i32
        %add3A_280 = arith.addi %mul3A_278, %add3A_279 : i32
        %get3A_281 = arith.index_cast %add3A_280 : i32 to index
        %get3A_282 = arith.constant 0 : index
        %get3A_283 = tpu.vector_load %arg11[%get3A_281, %get3A_282] {strides = array<i32>} : memref<416x16xf32, #tpu.memory_space<vmem>>, vector<16xf32>,
        %get3A_284 = arith.index_cast %add3A_280 : i32 to index
        %get3A_285 = arith.constant 0 : index
        %get3A_286 = tpu.vector_load %arg12[%get3A_284, %get3A_285] {strides = array<i32>} : memref<416x16xf32, #tpu.memory_space<vmem>>, vector<16xf32>,
        %mul3A_287 = arith.mulf %get3A_283, %get3A_286 : vector<16xf32>
        tpu.vector_store_idx %arg14[%broadcast_in_dim3A_189, %shift_right_logical3A_11, %rem3A_13, %broadcast_in_dim3A_30], %mul3A_287 : memref<26x2x8x16xf32, #tpu.memory_space<vmem>>[vector<16xi32>, vector<16xi32>, vector<16xi32>, vector<16xi32>], vector<16xf32>,
        %mul3A_288 = arith.constant 16 : i32
        %mul3A_289 = arith.muli %scan3A_188, %mul3A_288 : i32
        %add3A_290 = arith.constant 9 : i32
        %add3A_291 = arith.addi %mul3A_289, %add3A_290 : i32
        %get3A_292 = arith.index_cast %add3A_291 : i32 to index
        %get3A_293 = arith.constant 0 : index
        %get3A_294 = tpu.vector_load %arg11[%get3A_292, %get3A_293] {strides = array<i32>} : memref<416x16xf32, #tpu.memory_space<vmem>>, vector<16xf32>,
        %get3A_295 = arith.index_cast %add3A_291 : i32 to index
        %get3A_296 = arith.constant 0 : index
        %get3A_297 = tpu.vector_load %arg12[%get3A_295, %get3A_296] {strides = array<i32>} : memref<416x16xf32, #tpu.memory_space<vmem>>, vector<16xf32>,
        %mul3A_298 = arith.mulf %get3A_294, %get3A_297 : vector<16xf32>
        tpu.vector_store_idx %arg14[%broadcast_in_dim3A_189, %shift_right_logical3A_11, %rem3A_13, %broadcast_in_dim3A_32], %mul3A_298 : memref<26x2x8x16xf32, #tpu.memory_space<vmem>>[vector<16xi32>, vector<16xi32>, vector<16xi32>, vector<16xi32>], vector<16xf32>,
        %mul3A_299 = arith.constant 16 : i32
        %mul3A_300 = arith.muli %scan3A_188, %mul3A_299 : i32
        %add3A_301 = arith.constant 10 : i32
        %add3A_302 = arith.addi %mul3A_300, %add3A_301 : i32
        %get3A_303 = arith.index_cast %add3A_302 : i32 to index
        %get3A_304 = arith.constant 0 : index
        %get3A_305 = tpu.vector_load %arg11[%get3A_303, %get3A_304] {strides = array<i32>} : memref<416x16xf32, #tpu.memory_space<vmem>>, vector<16xf32>,
        %get3A_306 = arith.index_cast %add3A_302 : i32 to index
        %get3A_307 = arith.constant 0 : index
        %get3A_308 = tpu.vector_load %arg12[%get3A_306, %get3A_307] {strides = array<i32>} : memref<416x16xf32, #tpu.memory_space<vmem>>, vector<16xf32>,
        %mul3A_309 = arith.mulf %get3A_305, %get3A_308 : vector<16xf32>
        tpu.vector_store_idx %arg14[%broadcast_in_dim3A_189, %shift_right_logical3A_11, %rem3A_13, %broadcast_in_dim3A_34], %mul3A_309 : memref<26x2x8x16xf32, #tpu.memory_space<vmem>>[vector<16xi32>, vector<16xi32>, vector<16xi32>, vector<16xi32>], vector<16xf32>,
        %mul3A_310 = arith.constant 16 : i32
        %mul3A_311 = arith.muli %scan3A_188, %mul3A_310 : i32
        %add3A_312 = arith.constant 11 : i32
        %add3A_313 = arith.addi %mul3A_311, %add3A_312 : i32
        %get3A_314 = arith.index_cast %add3A_313 : i32 to index
        %get3A_315 = arith.constant 0 : index
        %get3A_316 = tpu.vector_load %arg11[%get3A_314, %get3A_315] {strides = array<i32>} : memref<416x16xf32, #tpu.memory_space<vmem>>, vector<16xf32>,
        %get3A_317 = arith.index_cast %add3A_313 : i32 to index
        %get3A_318 = arith.constant 0 : index
        %get3A_319 = tpu.vector_load %arg12[%get3A_317, %get3A_318] {strides = array<i32>} : memref<416x16xf32, #tpu.memory_space<vmem>>, vector<16xf32>,
        %mul3A_320 = arith.mulf %get3A_316, %get3A_319 : vector<16xf32>
        tpu.vector_store_idx %arg14[%broadcast_in_dim3A_189, %shift_right_logical3A_11, %rem3A_13, %broadcast_in_dim3A_36], %mul3A_320 : memref<26x2x8x16xf32, #tpu.memory_space<vmem>>[vector<16xi32>, vector<16xi32>, vector<16xi32>, vector<16xi32>], vector<16xf32>,
        %mul3A_321 = arith.constant 16 : i32
        %mul3A_322 = arith.muli %scan3A_188, %mul3A_321 : i32
        %add3A_323 = arith.constant 12 : i32
        %add3A_324 = arith.addi %mul3A_322, %add3A_323 : i32
        %get3A_325 = arith.index_cast %add3A_324 : i32 to index
        %get3A_326 = arith.constant 0 : index
        %get3A_327 = tpu.vector_load %arg11[%get3A_325, %get3A_326] {strides = array<i32>} : memref<416x16xf32, #tpu.memory_space<vmem>>, vector<16xf32>,
        %get3A_328 = arith.index_cast %add3A_324 : i32 to index
        %get3A_329 = arith.constant 0 : index
        %get3A_330 = tpu.vector_load %arg12[%get3A_328, %get3A_329] {strides = array<i32>} : memref<416x16xf32, #tpu.memory_space<vmem>>, vector<16xf32>,
        %mul3A_331 = arith.mulf %get3A_327, %get3A_330 : vector<16xf32>
        tpu.vector_store_idx %arg14[%broadcast_in_dim3A_189, %shift_right_logical3A_11, %rem3A_13, %broadcast_in_dim3A_38], %mul3A_331 : memref<26x2x8x16xf32, #tpu.memory_space<vmem>>[vector<16xi32>, vector<16xi32>, vector<16xi32>, vector<16xi32>], vector<16xf32>,
        %mul3A_332 = arith.constant 16 : i32
        %mul3A_333 = arith.muli %scan3A_188, %mul3A_332 : i32
        %add3A_334 = arith.constant 13 : i32
        %add3A_335 = arith.addi %mul3A_333, %add3A_334 : i32
        %get3A_336 = arith.index_cast %add3A_335 : i32 to index
        %get3A_337 = arith.constant 0 : index
        %get3A_338 = tpu.vector_load %arg11[%get3A_336, %get3A_337] {strides = array<i32>} : memref<416x16xf32, #tpu.memory_space<vmem>>, vector<16xf32>,
        %get3A_339 = arith.index_cast %add3A_335 : i32 to index
        %get3A_340 = arith.constant 0 : index
        %get3A_341 = tpu.vector_load %arg12[%get3A_339, %get3A_340] {strides = array<i32>} : memref<416x16xf32, #tpu.memory_space<vmem>>, vector<16xf32>,
        %mul3A_342 = arith.mulf %get3A_338, %get3A_341 : vector<16xf32>
        tpu.vector_store_idx %arg14[%broadcast_in_dim3A_189, %shift_right_logical3A_11, %rem3A_13, %broadcast_in_dim3A_40], %mul3A_342 : memref<26x2x8x16xf32, #tpu.memory_space<vmem>>[vector<16xi32>, vector<16xi32>, vector<16xi32>, vector<16xi32>], vector<16xf32>,
        %mul3A_343 = arith.constant 16 : i32
        %mul3A_344 = arith.muli %scan3A_188, %mul3A_343 : i32
        %add3A_345 = arith.constant 14 : i32
        %add3A_346 = arith.addi %mul3A_344, %add3A_345 : i32
        %get3A_347 = arith.index_cast %add3A_346 : i32 to index
        %get3A_348 = arith.constant 0 : index
        %get3A_349 = tpu.vector_load %arg11[%get3A_347, %get3A_348] {strides = array<i32>} : memref<416x16xf32, #tpu.memory_space<vmem>>, vector<16xf32>,
        %get3A_350 = arith.index_cast %add3A_346 : i32 to index
        %get3A_351 = arith.constant 0 : index
        %get3A_352 = tpu.vector_load %arg12[%get3A_350, %get3A_351] {strides = array<i32>} : memref<416x16xf32, #tpu.memory_space<vmem>>, vector<16xf32>,
        %mul3A_353 = arith.mulf %get3A_349, %get3A_352 : vector<16xf32>
        tpu.vector_store_idx %arg14[%broadcast_in_dim3A_189, %shift_right_logical3A_11, %rem3A_13, %broadcast_in_dim3A_42], %mul3A_353 : memref<26x2x8x16xf32, #tpu.memory_space<vmem>>[vector<16xi32>, vector<16xi32>, vector<16xi32>, vector<16xi32>], vector<16xf32>,
        %mul3A_354 = arith.constant 16 : i32
        %mul3A_355 = arith.muli %scan3A_188, %mul3A_354 : i32
        %add3A_356 = arith.constant 15 : i32
        %add3A_357 = arith.addi %mul3A_355, %add3A_356 : i32
        %get3A_358 = arith.index_cast %add3A_357 : i32 to index
        %get3A_359 = arith.constant 0 : index
        %get3A_360 = tpu.vector_load %arg11[%get3A_358, %get3A_359] {strides = array<i32>} : memref<416x16xf32, #tpu.memory_space<vmem>>, vector<16xf32>,
        %get3A_361 = arith.index_cast %add3A_357 : i32 to index
        %get3A_362 = arith.constant 0 : index
        %get3A_363 = tpu.vector_load %arg12[%get3A_361, %get3A_362] {strides = array<i32>} : memref<416x16xf32, #tpu.memory_space<vmem>>, vector<16xf32>,
        %mul3A_364 = arith.mulf %get3A_360, %get3A_363 : vector<16xf32>
        tpu.vector_store_idx %arg14[%broadcast_in_dim3A_189, %shift_right_logical3A_11, %rem3A_13, %broadcast_in_dim3A_44], %mul3A_364 : memref<26x2x8x16xf32, #tpu.memory_space<vmem>>[vector<16xi32>, vector<16xi32>, vector<16xi32>, vector<16xi32>], vector<16xf32>,
      }
      %scan3A_168 = arith.constant 26 : i32
      %add3A_169 = arith.constant 1 : i32
      %add3A_170 = arith.addi %mul3A_92, %add3A_169 : i32
      %mul3A_171 = arith.constant 16 : i32
      %mul3A_172 = arith.muli %add3A_170, %mul3A_171 : i32
      %add3A_173 = arith.addi %mul3A_2, %mul3A_172 : i32
      %div3A_174 = arith.constant 128 : i32
      %div3A_175 = arith.divsi %add3A_173, %div3A_174 : i32
      %rem3A_176 = arith.constant 128 : i32
      %rem3A_177 = arith.remsi %add3A_173, %rem3A_176 : i32
      %dma_start3A_178 = arith.constant 0 : i32
      %dma_start3A_179 = arith.constant 0 : i32
      %dma_start3A_180 = arith.constant 0 : i32
      %dma_start3A_181 = tpu.memref_slice %arg5[%dma_start3A_178, %dma_start3A_179, %div3A_175, %dma_start3A_180, %rem3A_177] : memref<26x2x128x8x128xf32, #tpu.memory_space<hbm>> -> memref<26x2x1x8x16xf32, #tpu.memory_space<hbm>>
      %dma_start3A_182 = tpu.memref_squeeze %dma_start3A_181 : memref<26x2x1x8x16xf32, #tpu.memory_space<hbm>> -> memref<26x2x8x16xf32, #tpu.memory_space<hbm>>
      %dma_start3A_183 = arith.constant 0 : i32
      %dma_start3A_184 = arith.constant 0 : i32
      %dma_start3A_185 = arith.constant 0 : i32
      %dma_start3A_186 = tpu.memref_slice %arg5[%dma_start3A_183, %dma_start3A_184, %div3A_175, %dma_start3A_185, %rem3A_177] : memref<26x2x128x8x128xf32, #tpu.memory_space<hbm>> -> memref<26x2x1x8x16xf32, #tpu.memory_space<hbm>>
      %dma_start3A_187 = tpu.memref_squeeze %dma_start3A_186 : memref<26x2x1x8x16xf32, #tpu.memory_space<hbm>> -> memref<26x2x8x16xf32, #tpu.memory_space<hbm>>
      tpu.enqueue_dma source(%arg14 : memref<26x2x8x16xf32, #tpu.memory_space<vmem>>) target(%dma_start3A_187 : memref<26x2x8x16xf32, #tpu.memory_space<hbm>>) target_semaphore(%arg20 : memref<!tpu.dma_semaphore, #tpu.memory_space<semaphore_mem>>)
    }
    %scan3A_59 = arith.constant 16 : i32
    %add3A_60 = arith.constant 0 : i32
    %add3A_61 = arith.addi %mul3A_2, %add3A_60 : i32
    %div3A = arith.constant 128 : i32
    %div3A_62 = arith.divsi %add3A_61, %div3A : i32
    %rem3A_63 = arith.constant 128 : i32
    %rem3A_64 = arith.remsi %add3A_61, %rem3A_63 : i32
    %dma_wait3A = arith.constant 0 : i32
    %dma_wait3A_65 = arith.constant 0 : i32
    %dma_wait3A_66 = arith.constant 0 : i32
    %dma_wait3A_67 = tpu.memref_slice %arg5[%dma_wait3A, %dma_wait3A_65, %div3A_62, %dma_wait3A_66, %rem3A_64] : memref<26x2x128x8x128xf32, #tpu.memory_space<hbm>> -> memref<26x2x1x8x16xf32, #tpu.memory_space<hbm>>
    %dma_wait3A_68 = tpu.memref_squeeze %dma_wait3A_67 : memref<26x2x1x8x16xf32, #tpu.memory_space<hbm>> -> memref<26x2x8x16xf32, #tpu.memory_space<hbm>>
    %dma_wait3A_69 = arith.constant 0 : i32
    %dma_wait3A_70 = arith.constant 0 : i32
    %dma_wait3A_71 = arith.constant 0 : i32
    %dma_wait3A_72 = tpu.memref_slice %arg5[%dma_wait3A_69, %dma_wait3A_70, %div3A_62, %dma_wait3A_71, %rem3A_64] : memref<26x2x128x8x128xf32, #tpu.memory_space<hbm>> -> memref<26x2x1x8x16xf32, #tpu.memory_space<hbm>>
    %dma_wait3A_73 = tpu.memref_squeeze %dma_wait3A_72 : memref<26x2x1x8x16xf32, #tpu.memory_space<hbm>> -> memref<26x2x8x16xf32, #tpu.memory_space<hbm>>
    tpu.wait_dma2 semaphore(%arg19 : memref<!tpu.dma_semaphore, #tpu.memory_space<semaphore_mem>>) src(%arg13 : memref<26x2x8x16xf32, #tpu.memory_space<vmem>>) dst(%dma_wait3A_73 : memref<26x2x8x16xf32, #tpu.memory_space<hbm>>)
    %add3A_74 = arith.constant 0 : i32
    %add3A_75 = arith.addi %mul3A_2, %add3A_74 : i32
    %div3A_76 = arith.constant 128 : i32
    %div3A_77 = arith.divsi %add3A_75, %div3A_76 : i32
    %rem3A_78 = arith.constant 128 : i32
    %rem3A_79 = arith.remsi %add3A_75, %rem3A_78 : i32
    %dma_wait3A_80 = arith.constant 0 : i32
    %dma_wait3A_81 = arith.constant 0 : i32
    %dma_wait3A_82 = arith.constant 0 : i32
    %dma_wait3A_83 = tpu.memref_slice %arg5[%dma_wait3A_80, %dma_wait3A_81, %div3A_77, %dma_wait3A_82, %rem3A_79] : memref<26x2x128x8x128xf32, #tpu.memory_space<hbm>> -> memref<26x2x1x8x16xf32, #tpu.memory_space<hbm>>
    %dma_wait3A_84 = tpu.memref_squeeze %dma_wait3A_83 : memref<26x2x1x8x16xf32, #tpu.memory_space<hbm>> -> memref<26x2x8x16xf32, #tpu.memory_space<hbm>>
    %dma_wait3A_85 = arith.constant 0 : i32
    %dma_wait3A_86 = arith.constant 0 : i32
    %dma_wait3A_87 = arith.constant 0 : i32
    %dma_wait3A_88 = tpu.memref_slice %arg5[%dma_wait3A_85, %dma_wait3A_86, %div3A_77, %dma_wait3A_87, %rem3A_79] : memref<26x2x128x8x128xf32, #tpu.memory_space<hbm>> -> memref<26x2x1x8x16xf32, #tpu.memory_space<hbm>>
    %dma_wait3A_89 = tpu.memref_squeeze %dma_wait3A_88 : memref<26x2x1x8x16xf32, #tpu.memory_space<hbm>> -> memref<26x2x8x16xf32, #tpu.memory_space<hbm>>
    tpu.wait_dma2 semaphore(%arg20 : memref<!tpu.dma_semaphore, #tpu.memory_space<semaphore_mem>>) src(%arg14 : memref<26x2x8x16xf32, #tpu.memory_space<vmem>>) dst(%dma_wait3A_89 : memref<26x2x8x16xf32, #tpu.memory_space<hbm>>)
    return
  }
}

</mosaic_0001>

<sc_bundles>
// kernel: kernel.3.cloned.1.call-start
scs
__scs_entry_jumppad:
0x0: {  	(pc) =	sbr.rel $0x88, $3  }
0x1: {  	(tag) =	ssettag $0x0;
	lr =	simm.s32 $0x1  }
0x2: {  	[smem:$0x3F9E] =	sst lr;
	_ =	strace $0xD0000000  }
0x3: {  	_ = 	snop  }
0x4: {  	_ = 	snop  }
0x5: {  	_ = 	snop  }
0x6: {  	_ = 	snop  }
0x7: {  	_ = 	snop  }
__scs_overlays_trampoline_lowered:
0x8: {  	[smem:$0x3FAD] =	sst s0  }
0x9: {  	[smem:$0x3FAE] =	sst s1  }
0xa: {  	[smem:$0x3FAF] =	sst s2  }
0xb: {  	[smem:$0x3FB0] =	sst s3  }
0xc: {  	[smem:$0x3FB1] =	sst s4  }
0xd: {  	[smem:$0x3FB2] =	sst s5  }
0xe: {  	[smem:$0x3FB3] =	sst s6  }
0xf: {  	[smem:$0x3FB4] =	sst s7  }
0x10: {  	[smem:$0x3FB5] =	sst s8  }
0x11: {  	[smem:$0x3FB6] =	sst s9;
	s0 =	simm.s32 @!p0 $0x0  }
0x12: {  	s1 =	sld [smem:$0x3F9C];
	s0 =	simm.s32 @p0 $0x1  }
0x13: {  	[smem:$0x3FB7] =	sst s0;
	s0 =	simm.s32 @!p1 $0x0  }
0x14: {  	s2 =	sld [smem:$0x3F9B];
	s0 =	simm.s32 @p1 $0x1  }
0x15: {  	[smem:$0x3FB8] =	sst s0;
	s0 =	simm.s32 @!p2 $0x0  }
0x16: {  	s3 =	sld [smem:$0x3FDB];
	s0 =	simm.s32 @p2 $0x1  }
0x17: {  	s4 =	simm.s32 $0x1BF5;
	[smem:$0x3FBA] =	sst s0  }
0x18: {  	s0 =	sld [smem:$0x3F9D];
	_ =	swait.ge [sflag:s4], $0x0  }
0x19: {  	s7 =	sld [smem:$0x3F9E]  }
0x1a: {  	s8 =	sadd.s32 $0xFFFFE003, lr  }
0x1b: {  	s9 =	sadd.s32 $0xFFFFFEF7, lr;
	s5 =	simm.s32 $0xFFFFFFFF;
	p2 =	slt.u32 s8, $0xFFFFF086  }
0x1c: {  	p1 =	slt.u32 s9, $0xF7A;
	s5 =	simm.s32 @!p2 $0x0  }
0x1d: {  	s5 =	simm.s32 @p1 $0x1;
	p0 =	seq.s32 s7, s2  }
0x1e: {  	s7 =	smul.u32 @!p0 $0xF7A, s2;
	p2 =	seq.s32 @!p0 s5, $0x0  }
0x1f: {  	s9 =	smul.u32 $0xF7A, s1;
	s8 =	simm.s32 @!p0 $0x1BF5;
	p2 =	por !p2, p0  }
0x20: {  	[sflag:s8] =	ssyncset.s32 @!p0 $0xFFFFF086;
	s6 =	sadd.s32 @!p0 s3, s7;
	s7 =	simm.s32 @!p0 $0x108  }
0x21: {  	s3 =	sadd.s32 s3, s9;
	s6 =	sadd.s32 @!p0 $0x88, s6;
	s7 =	simm.s32 @p2 $0x1082  }
0x22: {  	[simem:s7], [sflag:s8] =	dma.local @!p0 [hbm:s6], $0xF7A  }
0x23: {  	s9 =	sor.u32 $0xD0000000, s2;
	s6 =	simm.s32 $0x108;
	_ =	swait.ge @!p0 [sflag:s8], $0x0  }
0x24: {  	s3 =	sadd.s32 $0x88, s3;
	s6 =	simm.s32 @!p1 $0x1082;
	[sflag:s4] =	ssyncset.s32 $0xFFFFF086  }
0x25: {  	[simem:s6], [sflag:s4] =	dma.local [hbm:s3], $0xF7A  }
0x26: {  	[smem:$0x3F9E] =	sst s1;
	(tag) =	ssettag s2;
	_ =	strace s9  }
0x27: {  	s1 =	sld [smem:$0x3FAE]  }
0x28: {  	s2 =	sld [smem:$0x3FAF]  }
0x29: {  	s4 =	sld [smem:$0x3FB1]  }
0x2a: {  	p0 =	seq.s32 s5, $0x0;
	s5 =	sld [smem:$0x3FB2]  }
0x2b: {  	s6 =	sld [smem:$0x3FB3]  }
0x2c: {  	s7 =	sld [smem:$0x3FB4]  }
0x2d: {  	s3 =	simm.s32 $0x108;
	s8 =	sld [smem:$0x3FB5]  }
0x2e: {  	s3 =	simm.s32 @!p0 $0x1082;
	s9 =	sld [smem:$0x3FB6]  }
0x2f: {  	lr =	sadd.s32 s0, s3;
	s0 =	sld [smem:$0x3FAD]  }
0x30: {  	s3 =	sld [smem:$0x3FB0]  }
0x31: {  	[smem:$0x3FB9] =	sst s10  }
0x32: {  	s10 =	sld [smem:$0x3FB7];
	_ =	sdelay $0x3  }
0x33: {  	p0 =	seq.s32 s10, $0x1;
	s10 =	sld [smem:$0x3FB9];
	_ =	sdelay $0x3  }
0x34: {  	[smem:$0x3FB9] =	sst s10  }
0x35: {  	s10 =	sld [smem:$0x3FB8];
	_ =	sdelay $0x3  }
0x36: {  	p1 =	seq.s32 s10, $0x1;
	s10 =	sld [smem:$0x3FB9];
	_ =	sdelay $0x3  }
0x37: {  	[smem:$0x3FB9] =	sst s10  }
0x38: {  	s10 =	sld [smem:$0x3FBA]  }
0x39: {  	_ = 	snop;
	(pc) =	sbr.ind lr, $3  }
0x3a: {  	_ = 	snop  }
0x3b: {  	_ = 	snop  }
0x3c: {  	p2 =	seq.s32 s10, $0x1;
	s10 =	sld [smem:$0x3FB9]  }
0x3d: {  	_ =	shalt  }
0x3e: {  	_ =	shalt  }
0x3f: {  	_ =	shalt  }
0x40: {  	_ =	shalt  }
0x41: {  	_ =	shalt  }
0x42: {  	_ =	shalt  }
0x43: {  	_ =	shalt  }
0x44: {  	_ =	shalt  }
0x45: {  	_ =	shalt  }
0x46: {  	_ =	shalt  }
0x47: {  	_ =	shalt  }
0x48: {  	_ =	shalt  }
0x49: {  	_ =	shalt  }
0x4a: {  	_ =	shalt  }
0x4b: {  	_ =	shalt  }
0x4c: {  	_ =	shalt  }
0x4d: {  	_ =	shalt  }
0x4e: {  	_ =	shalt  }
0x4f: {  	_ =	shalt  }
0x50: {  	_ =	shalt  }
0x51: {  	_ =	shalt  }
0x52: {  	_ =	shalt  }
0x53: {  	_ =	shalt  }
0x54: {  	_ =	shalt  }
0x55: {  	_ =	shalt  }
0x56: {  	_ =	shalt  }
0x57: {  	_ =	shalt  }
0x58: {  	_ =	shalt  }
0x59: {  	_ =	shalt  }
0x5a: {  	_ =	shalt  }
0x5b: {  	_ =	shalt  }
0x5c: {  	_ =	shalt  }
0x5d: {  	_ =	shalt  }
0x5e: {  	_ =	shalt  }
0x5f: {  	_ =	shalt  }
0x60: {  	_ =	shalt  }
0x61: {  	_ =	shalt  }
0x62: {  	_ =	shalt  }
0x63: {  	_ =	shalt  }
0x64: {  	_ =	shalt  }
0x65: {  	_ =	shalt  }
0x66: {  	_ =	shalt  }
0x67: {  	_ =	shalt  }
0x68: {  	_ =	shalt  }
0x69: {  	_ =	shalt  }
0x6a: {  	_ =	shalt  }
0x6b: {  	_ =	shalt  }
0x6c: {  	_ =	shalt  }
0x6d: {  	_ =	shalt  }
0x6e: {  	_ =	shalt  }
0x6f: {  	_ =	shalt  }
0x70: {  	_ =	shalt  }
0x71: {  	_ =	shalt  }
0x72: {  	_ =	shalt  }
0x73: {  	_ =	shalt  }
0x74: {  	_ =	shalt  }
0x75: {  	_ =	shalt  }
0x76: {  	_ =	shalt  }
0x77: {  	_ =	shalt  }
0x78: {  	_ =	shalt  }
0x79: {  	_ =	shalt  }
0x7a: {  	_ =	shalt  }
0x7b: {  	_ =	shalt  }
0x7c: {  	_ =	shalt  }
0x7d: {  	_ =	shalt  }
0x7e: {  	_ =	shalt  }
0x7f: {  	_ =	shalt  }
0x80: {  	_ =	shalt  }
0x81: {  	_ =	shalt  }
0x82: {  	_ =	shalt  }
0x83: {  	_ =	shalt  }
0x84: {  	_ =	shalt  }
0x85: {  	_ =	shalt  }
0x86: {  	_ =	shalt  }
0x87: {  	_ =	shalt  }
.Lfunc_end0:
.L_simem_size_0:
called_computation_lowered:
.L_overlay_start_0:
0x88: {  	s2 =	sld [smem:$0x3FD9]  }
0x89: {  	s3 =	sld [smem:$0x3FFE];
	_ =	sdelay $0x1  }
0x8a: {  	s1 =	srdreg.scid  }
0x8b: {  	s0 =	sand.u32 $0x1, s1  }
0x8c: {  	s17 =	sshll.u32 s0, $0xA;
	s2 =	sadd.s32 s3, s2  }
0x8d: {  	s2 =	sadd.s32 s2, s17  }
0x8e: {  	[smem:$0x3FC5] =	sst s2  }
0x8f: {  	_ = 	snop  }
0x90: {  	s2 =	sld [smem:$0x3FD0];
	(tm) =	ssettm $0x1  }
0x91: {  	s18 =	sld [smem:$0x3FFB];
	_ =	sdelay $0x3  }
0x92: {  	_ =	strace s18  }
0x93: {  	s3 =	sld [smem:$0x3FFC];
	_ =	sdelay $0x3  }
0x94: {  	_ =	strace s3  }
0x95: {  	s3 =	sld [smem:$0x3FFD];
	_ =	sdelay $0x3  }
0x96: {  	_ =	strace s3  }
0x97: {  	_ =	strace $0x8FFFFFFF  }
0x98: {  	s19 =	sld [smem:$0x3FDB];
	_ =	sdelay $0x1  }
0x99: {  	s4 =	simm.s32 $_scs_section_size  }
0x9a: {  	s5 =	simm.s32 $_size__tile_overlayer_lowered;
	s6 =	simm.s32 $_tile_overlayer_lowered  }
0x9b: {  	s22 =	simm.s32 $0x1BFF;
	s21 =	sshll.u32 s6, $0x1;
	s3 =	sadd.s32 s4, s19  }
0x9c: {  	s7 =	simm.s32 $0x0;
	s20 =	sshll.u32 s5, $0x1;
	s5 =	sadd.s32 s21, s3  }
0x9d: {  	[timem:s7], [sflag:s22] =	dma.local [hbm:s5], s20  }
0x9e: {  	_ =	swait.ge [sflag:s22], s20  }
0x9f: {  	s4 =	ssub.s32 $0x0, s20;
	[sflag:s22] =	ssyncset.done $0x0  }
0xa0: {  	[sflag:s22] =	ssyncadd.s32 s4;
	_ =	sdelay $0x1  }
0xa1: {  	s23 =	simm.s32 $0x1B8B  }
0xa2: {  	_ =	swait.ge [sflag:s23], $0x1  }
0xa3: {  	[sflag:s23] =	ssyncset.done $0x0  }
0xa4: {  	s25 =	simm.s32 $0x1B8E;
	s24 =	sld [smem:$0x3FFE];
	[sflag:s23] =	ssyncadd.s32 $0xFFFFFFFF  }
0xa5: {  	s26 =	simm.s32 $execute0_lowered;
	[smem:$0x3FD2] =	sst s25  }
0xa6: {  	s5 =	sshll.u32 s26, $0x1;
	_ =	strace $0x80000046;
	[dreg:$0x1] =	wrdreg $0xFFFFFFFF  }
0xa7: {  	s28 =	simm.s32 $_size_execute0_lowered;
	s3 =	sadd.s32 s3, s5;
	[dreg:$0x0] =	wrdreg $0x0  }
0xa8: {  	s5 =	sshll.u32 s28, $0x1;
	[dreg:$0x2] =	wrdreg s3  }
0xa9: {  	[dreg:$0x3] =	wrdreg s5  }
0xaa: {  	[dreg:$0x4] =	wrdreg $0xC0  }
0xab: {  	_ =	task [dreg:s7], $0x5FFFF  }
0xac: {  	[dreg:$0x1] =	wrdreg $0xFFFFFFFF  }
0xad: {  	[dreg:$0x0] =	wrdreg $0x60  }
0xae: {  	[dreg:$0x2] =	wrdreg s24  }
0xaf: {  	[dreg:$0x3] =	wrdreg s2  }
0xb0: {  	[dreg:$0x4] =	wrdreg $0x138000  }
0xb1: {  	[dreg:$0x5] =	wrdreg $0x15F180  }
0xb2: {  	[dreg:$0x6] =	wrdreg $0x9  }
0xb3: {  	_ =	task.clear_ibuf [dreg:s7], $0x7FFFF;
	_ =	strace $0x90000046  }
0xb4: {  	s29 =	simm.s32 $0x9;
	_ =	strace $0x80000048  }
0xb5: {  	_ =	swait.ge [sflag:s29], $0x1  }
0xb6: {  	[sflag:s29] =	ssyncadd.s32 $0xFFFFFFFF  }
0xb7: {  	_ =	strace $0x90000048  }
0xb8: {  	_ =	sfence  }
0xb9: {  	s30 =	sld [smem:$0x0];
	_ =	sdelay $0x2  }
0xba: {  	s31 =	sshll.u32 s1, $0xD;
	s1 =	sshrl.u32 s1, $0x2  }
0xbb: {  	s3 =	sand.u32 $0x4000, s31;
	s1 =	sadd.s32 s1, s30  }
0xbc: {  	s0 =	sor.u32 s3, s0;
	s1 =	sshll.u32 s1, $0x11  }
0xbd: {  	s0 =	sor.u32 s1, s0  }
0xbe: {  	s0 =	sadd.s32 $0x8F2B, s0  }
0xbf: {  	[sflag:s0] =	ssyncadd.remote.s32 $0x1  }
0xc0: {  	_ =	sfence.sel $0xFFFF  }
0xc1: {  	[dreg:$0x0] =	wrdreg $0xFFFFFFFF;
	(pc) =	sbr.abs _section_cstart, $3  }
0xc2: {  	[dreg:$0x1] =	wrdreg $0xFFFFFFFF  }
0xc3: {  	_ =	task.clear_ibuf [dreg:s7], $0x2FFFF;
	_ =	strace $0x9FFFFFFF  }
0xc4: {  	(tm) =	ssettm $0x7FFFFFFF  }
0xc5: {  	_ =	shalt  }
tec
execute0_lowered:
.L_overlay_start_1:
0x0: {  	(tag) =	ssettag $0x1  }
0x1: {  	s2 =	rddreg [dreg:$0x0]  }
0x2: {  	s0 =	rddreg [dreg:$0x1];
	s3 =	srdreg.scid  }
0x3: {  	s1 =	rddreg [dreg:$0x2];
	s4 =	stileid.u32  }
0x4: {  	s8 =	simm.s32 $0x0;
	s14 =	simm.s32 $0x5;
	s15 =	simm.s32 $0x1A0  }
0x5: {  	s20 =	simm.s32 $0xD000;
	s21 =	simm.s32 $0xEA00;
	s22 =	simm.s32 $0x1  }
0x6: {  	s23 =	simm.s32 $0x10400;
	s24 =	simm.s32 $0x10;
	s28 =	simm.s32 $0x11E00  }
0x7: {  	v0 =	vlaneseq.u32;
	s29 =	simm.s32 $0x3;
	s30 =	simm.s32 $0x4;
	s31 =	simm.s32 $0x0  }
0x8: {  	s6 =	sand.u32 $0x1, s3;
	s3 =	rddreg [dreg:$0x3];
	s5 =	sshll.u32 s4, $0xA;
	v0 =	vmul.u32 $0x10, v0  }
0x9: {  	[smem:$0x7FF] =	sst s8;
	p0 =	sne.s32 s4, $0x0;
	s7 =	sshll.u32 s6, $0x9  }
0xa: {  	s25 =	ssub.s32 $0x2, s6;
	_ =	strace $0x80000047;
	s6 =	sadd.s32 $0xD600, s2;
	v1 =	vor.u32 $0x1, v0;
	v2 =	vor.u32 $0x2, v0;
	v3 =	vor.u32 $0x3, v0  }
0xb: {  	s11 =	sshrl.u32 @!p0 s3, $0x3;
	s5 =	sor.u32 s7, s5;
	s10 =	sshrl.u32 s25, $0x1;
	v4 =	vor.u32 $0x4, v0;
	v5 =	vor.u32 $0x5, v0;
	v6 =	vor.u32 $0x6, v0  }
0xc: {  	v7 =	vor.u32 $0x7, v0;
	v8 =	vor.u32 $0x8, v0;
	v9 =	vor.u32 $0x9, v0;
	s7 =	sshrl.u32 s5, $0x3;
	s26 =	ssub.s32 s25, s10;
	s10 =	sshrl.u32 @!p0 s1, $0x3  }
0xd: {  	v10 =	vor.u32 $0xA, v0;
	v11 =	vor.u32 $0xB, v0;
	v12 =	vor.u32 $0xC, v0;
	s25 =	simm.s32 $0x80;
	s9 =	sadd.s32 s7, s2;
	s7 =	sadd.s32 $0x400, s2  }
0xe: {  	v13 =	vor.u32 $0xD, v0;
	v14 =	vor.u32 $0xE, v0;
	v15 =	vor.u32 $0xF, v0;
	s8 =	sadd.s32 $0x600, s9;
	s9 =	smax.u32 s26, $0x1;
	s26 =	simm.s32 $0x2  }
.LBB2_1:
0xf: {  	s2 =	simm.s32 @!p0 $0x1C05;
	s4 =	simm.s32 @!p0 $0x5  }
0x10: {  	[spmem:s10], [sflag:s2] =	dma.local @!p0 [hbm:s6], $0x4E22  }
0x11: {  	_ =	swait.ge @!p0 [sflag:s4], $0x4E22  }
0x12: {  	[sflag:s4] =	ssyncset.done @!p0 $0x0  }
0x13: {  	[sflag:s4] =	ssyncadd.s32 @!p0 $0xFFFFB1DE  }
0x14: {  	[spmem:s11], [sflag:s2] =	dma.local @!p0 [hbm:s7], $0xC8  }
0x15: {  	_ =	swait.ge @!p0 [sflag:s4], $0xC8  }
0x16: {  	s18 =	simm.s32 $0x0;
	[sflag:s4] =	ssyncset.done @!p0 $0x0  }
0x17: {  	s19 =	simm.s32 $0x200;
	s12 =	simm.s32 $0x4000;
	[sflag:s4] =	ssyncadd.s32 @!p0 $0xFFFFFF38  }
0x18: {  	[tilespmem:s18], [sflag:$0x5] =	stream.strided.gather [hbm4b:s8+s19], $0x3400, s12, s19, $0x38;
	[tilespmem:$0x15F80] =	vst v63  }
0x19: {  	_ =	swait.ge [sflag:s14], $0x3400  }
0x1a: {  	s13 =	simm.s32 $0x0;
	s2 =	simm.s32 $0x0;
	[sflag:s14] =	ssyncset.done $0x0  }
0x1b: {  	s4 =	simm.s32 $0x6800;
	s12 =	simm.s32 $0x3400;
	[sflag:s14] =	ssyncadd.s32 $0xFFFFCC00  }
.LBB2_2:
0x1c: {  	s16 =	simm.s32 $0x0;
	v17 =	vmov s12;
	v16 =	vmov s4;
	v18 =	vld [tilespmem:s2+$0x0];
	s17 =	simm.s32 $0x680;
	s18 =	smov.u32 s2  }
.LBB2_3:
0x1d: {  	p1 =	sne.s32 s17, $0xC980;
	_ =	sdelay $0x3  }
0x1e: {  	v19 =	vcvt.s32.f32 v18;
	_ =	sdelay $0x1  }
0x1f: {  	v19 =	vadd.f32 $5.000000000e-01, v19;
	_ =	sdelay $0x1  }
0x20: {  	v19 =	vmul.f32 $9.999999770e-03, v19;
	_ =	sdelay $0x1  }
0x21: {  	v19 =	vtrunc.f32 v19  }
0x22: {  	v19 =	vcvt.f32.s32 v19  }
0x23: {  	s19 =	sshra.s32 s16, $0x2;
	s16 =	smov.u32 s17  }
.Ltmp0:
0x24: {  	[tilespmem:v17+s19+$0x0 ss:$0x1] =	vst.idx.msk $0xffff, v19;
	v19 =	vmul.u32 $0xFFFFFF9C, v19;
	(pc) =	sbr.rel @p1 .LBB2_3-.Ltmp0, $4  }
0x25: {  	_ = 	snop  }
0x26: {  	v18 =	vadd.s32 v18, v19  }
0x27: {  	s18 =	sadd.s32 $0x10, s18;
	[tilespmem:v16+s19+$0x0 ss:$0x1] =	vst.idx.msk $0xffff, v18  }
0x28: {  	s17 =	sadd.s32 $0x680, s17;
	v18 =	vld [tilespmem:s18+$0x0]  }
0x29: {  	_ =	sdelay $0x3  }
0x2a: {  	v19 =	vcvt.s32.f32 v18;
	_ =	sdelay $0x1  }
0x2b: {  	v19 =	vadd.f32 $5.000000000e-01, v19;
	_ =	sdelay $0x1  }
0x2c: {  	v19 =	vmul.f32 $9.999999770e-03, v19;
	_ =	sdelay $0x1  }
0x2d: {  	s13 =	sadd.s32 $0x1, s13;
	v19 =	vtrunc.f32 v19  }
0x2e: {  	p1 =	sne.s32 s13, $0x1A;
	v19 =	vcvt.f32.s32 v19  }
.Ltmp1:
0x2f: {  	_ = 	snop;
	(pc) =	sbr.rel @p1 .LBB2_2-.Ltmp1, $4  }
0x30: {  	v20 =	vmul.u32 $0xFFFFFF9C, v19  }
0x31: {  	s16 =	sshra.s32 s16, $0x2  }
0x32: {  	[tilespmem:v17+s16+$0x0 ss:$0x1] =	vst.idx.msk $0xffff, v19;
	v17 =	vadd.s32 v18, v20  }
0x33: {  	s12 =	sadd.s32 $0x10, s12;
	s4 =	sadd.s32 $0x10, s4;
	s2 =	sadd.s32 $0x200, s2;
	[tilespmem:v16+s16+$0x0 ss:$0x1] =	vst.idx.msk $0xffff, v17  }
0x34: {  	[bflag:$0x0] =	sbarrier.arrive $0xFFFF;
	s2 =	simm.s32 $0x3400;
	s4 =	simm.s32 $0x9C00  }
0x35: {  	[tilespmem:s4], [sflag:$0x1] =	stream.indirect.gather [spmem:s1], $0x10, s2, s15, $0xb8;
	[tilespmem:$0x15F80] =	vst v63  }
0x36: {  	s18 =	simm.s32 $0x6800;
	s19 =	simm.s32 $0xB600;
	s2 =	simm.s32 $0x0  }
0x37: {  	[tilespmem:s19], [sflag:$0x1] =	stream.indirect.gather [spmem:s3], $0x10, s18, s15, $0xb8;
	[tilespmem:$0x15F80] =	vst v63  }
.LBB2_6:
0x38: {  	s12 =	sshllo.u32 s2, $0x1  }
0x39: {  	s4 =	smul.u32 $0x1A0, s12;
	_ =	sdelay $0x1  }
0x3a: {  	s13 =	sadd.s32 $0x3400, s4  }
0x3b: {  	[tilespmem:s20], [sflag:$0x2] =	stream.indirect.gather [spmem:s1], $0x10, s13, s15, $0xb8;
	[tilespmem:$0x15F80] =	vst v63  }
0x3c: {  	s4 =	sadd.s32 $0x6800, s4  }
0x3d: {  	[tilespmem:s21], [sflag:$0x2] =	stream.indirect.gather [spmem:s3], $0x10, s4, s15, $0xb8;
	[tilespmem:$0x15F80] =	vst v63  }
0x3e: {  	_ =	swait.ge [sflag:s22], $0x1A00  }
0x3f: {  	[sflag:s22] =	ssyncset.done $0x0  }
0x40: {  	[sflag:s22] =	ssyncadd.s32 $0xFFFFE600  }
0x41: {  	_ =	swait.ge [sflag:s22], $0x1A00  }
0x42: {  	p1 =	seq.s32 s2, $0x0;
	[sflag:s22] =	ssyncset.done $0x0  }
0x43: {  	s4 =	simm.s32 @!p1 $0x3;
	[sflag:s22] =	ssyncadd.s32 $0xFFFFE600  }
0x44: {  	_ =	swait.ge @!p1 [sflag:s4], $0x1A00  }
0x45: {  	[sflag:s4] =	ssyncset.done @!p1 $0x0  }
0x46: {  	s13 =	simm.s32 $0x9C80;
	[sflag:s4] =	ssyncadd.s32 @!p1 $0xFFFFE600  }
0x47: {  	s16 =	simm.s32 $0xB680;
	v16 =	vld [tilespmem:s13+$0xFFFFFF80]  }
0x48: {  	v17 =	vld [tilespmem:s16+$0xFFFFFF80]  }
0x49: {  	s19 =	simm.s32 $0x0  }
0x4a: {  	v18 =	vor.u32 s19, v0;
	_ =	sdelay $0x2  }
0x4b: {  	v16 =	vmul.f32 v17, v16;
	_ =	sdelay $0x1  }
0x4c: {  	[tilespmem:v18+s23+$0x0] =	vst.idx.msk $0xffff, v16  }
0x4d: {  	v16 =	vld [tilespmem:s13+$0xFFFFFF90]  }
0x4e: {  	v17 =	vld [tilespmem:s16+$0xFFFFFF90];
	_ =	sdelay $0x1  }
0x4f: {  	v18 =	vor.u32 s19, v1;
	_ =	sdelay $0x2  }
0x50: {  	v16 =	vmul.f32 v17, v16;
	_ =	sdelay $0x1  }
0x51: {  	[tilespmem:v18+s23+$0x0] =	vst.idx.msk $0xffff, v16  }
0x52: {  	v16 =	vld [tilespmem:s13+$0xFFFFFFA0]  }
0x53: {  	v17 =	vld [tilespmem:s16+$0xFFFFFFA0];
	_ =	sdelay $0x1  }
0x54: {  	v18 =	vor.u32 s19, v2;
	_ =	sdelay $0x2  }
0x55: {  	v16 =	vmul.f32 v17, v16;
	_ =	sdelay $0x1  }
0x56: {  	[tilespmem:v18+s23+$0x0] =	vst.idx.msk $0xffff, v16  }
0x57: {  	v16 =	vld [tilespmem:s13+$0xFFFFFFB0]  }
0x58: {  	v17 =	vld [tilespmem:s16+$0xFFFFFFB0];
	_ =	sdelay $0x1  }
0x59: {  	v18 =	vor.u32 s19, v3;
	_ =	sdelay $0x2  }
0x5a: {  	v16 =	vmul.f32 v17, v16;
	_ =	sdelay $0x1  }
0x5b: {  	[tilespmem:v18+s23+$0x0] =	vst.idx.msk $0xffff, v16  }
0x5c: {  	v16 =	vld [tilespmem:s13+$0xFFFFFFC0]  }
0x5d: {  	v17 =	vld [tilespmem:s16+$0xFFFFFFC0];
	_ =	sdelay $0x1  }
0x5e: {  	v18 =	vor.u32 s19, v4;
	_ =	sdelay $0x2  }
0x5f: {  	v16 =	vmul.f32 v17, v16;
	_ =	sdelay $0x1  }
0x60: {  	[tilespmem:v18+s23+$0x0] =	vst.idx.msk $0xffff, v16  }
0x61: {  	v16 =	vld [tilespmem:s13+$0xFFFFFFD0]  }
0x62: {  	v17 =	vld [tilespmem:s16+$0xFFFFFFD0];
	_ =	sdelay $0x1  }
0x63: {  	v18 =	vor.u32 s19, v5;
	_ =	sdelay $0x2  }
0x64: {  	v16 =	vmul.f32 v17, v16;
	_ =	sdelay $0x1  }
0x65: {  	[tilespmem:v18+s23+$0x0] =	vst.idx.msk $0xffff, v16  }
0x66: {  	v16 =	vld [tilespmem:s13+$0xFFFFFFE0]  }
0x67: {  	v17 =	vld [tilespmem:s16+$0xFFFFFFE0];
	_ =	sdelay $0x1  }
0x68: {  	v18 =	vor.u32 s19, v6;
	_ =	sdelay $0x2  }
0x69: {  	v16 =	vmul.f32 v17, v16;
	_ =	sdelay $0x1  }
0x6a: {  	[tilespmem:v18+s23+$0x0] =	vst.idx.msk $0xffff, v16  }
0x6b: {  	v16 =	vld [tilespmem:s13+$0xFFFFFFF0]  }
0x6c: {  	v17 =	vld [tilespmem:s16+$0xFFFFFFF0];
	_ =	sdelay $0x1  }
0x6d: {  	v18 =	vor.u32 s19, v7;
	_ =	sdelay $0x2  }
0x6e: {  	v16 =	vmul.f32 v17, v16;
	_ =	sdelay $0x1  }
0x6f: {  	[tilespmem:v18+s23+$0x0] =	vst.idx.msk $0xffff, v16  }
0x70: {  	v16 =	vld [tilespmem:s13+$0x0]  }
0x71: {  	v17 =	vld [tilespmem:s16+$0x0];
	_ =	sdelay $0x1  }
0x72: {  	v18 =	vor.u32 s19, v8;
	_ =	sdelay $0x2  }
0x73: {  	v16 =	vmul.f32 v17, v16;
	_ =	sdelay $0x1  }
0x74: {  	[tilespmem:v18+s23+$0x0] =	vst.idx.msk $0xffff, v16  }
0x75: {  	v16 =	vld [tilespmem:s13+$0x10]  }
0x76: {  	v17 =	vld [tilespmem:s16+$0x10];
	_ =	sdelay $0x1  }
0x77: {  	v18 =	vor.u32 s19, v9;
	_ =	sdelay $0x2  }
0x78: {  	v16 =	vmul.f32 v17, v16;
	_ =	sdelay $0x1  }
0x79: {  	[tilespmem:v18+s23+$0x0] =	vst.idx.msk $0xffff, v16  }
0x7a: {  	v16 =	vld [tilespmem:s13+$0x20]  }
0x7b: {  	v17 =	vld [tilespmem:s16+$0x20];
	_ =	sdelay $0x1  }
0x7c: {  	v18 =	vor.u32 s19, v10;
	_ =	sdelay $0x2  }
0x7d: {  	v16 =	vmul.f32 v17, v16;
	_ =	sdelay $0x1  }
0x7e: {  	[tilespmem:v18+s23+$0x0] =	vst.idx.msk $0xffff, v16  }
0x7f: {  	v16 =	vld [tilespmem:s13+$0x30]  }
0x80: {  	v17 =	vld [tilespmem:s16+$0x30];
	_ =	sdelay $0x1  }
0x81: {  	v18 =	vor.u32 s19, v11;
	_ =	sdelay $0x2  }
0x82: {  	v16 =	vmul.f32 v17, v16;
	_ =	sdelay $0x1  }
0x83: {  	[tilespmem:v18+s23+$0x0] =	vst.idx.msk $0xffff, v16  }
0x84: {  	v16 =	vld [tilespmem:s13+$0x40]  }
0x85: {  	v17 =	vld [tilespmem:s16+$0x40];
	_ =	sdelay $0x1  }
0x86: {  	v18 =	vor.u32 s19, v12;
	_ =	sdelay $0x2  }
0x87: {  	v16 =	vmul.f32 v17, v16;
	_ =	sdelay $0x1  }
0x88: {  	[tilespmem:v18+s23+$0x0] =	vst.idx.msk $0xffff, v16  }
0x89: {  	v16 =	vld [tilespmem:s13+$0x50]  }
0x8a: {  	v17 =	vld [tilespmem:s16+$0x50];
	_ =	sdelay $0x1  }
0x8b: {  	v18 =	vor.u32 s19, v13;
	_ =	sdelay $0x2  }
0x8c: {  	v16 =	vmul.f32 v17, v16;
	_ =	sdelay $0x1  }
0x8d: {  	[tilespmem:v18+s23+$0x0] =	vst.idx.msk $0xffff, v16  }
0x8e: {  	v18 =	vld [tilespmem:s13+$0x60]  }
0x8f: {  	s17 =	simm.s32 $0x1;
	s18 =	simm.s32 $0x9C80;
	s4 =	simm.s32 $0xB680;
	v17 =	vor.u32 s19, v14;
	v16 =	vor.u32 s19, v15;
	v19 =	vld [tilespmem:s16+$0x60]  }
.LBB2_7:
0x90: {  	p2 =	sne.s32 s17, $0x19;
	s13 =	sadd.s32 $0x100, s13;
	s16 =	sadd.s32 $0x100, s16  }
0x91: {  	s19 =	smov.u32 s17;
	s17 =	sadd.s32 $0x1, s17;
	_ =	sdelay $0x2  }
0x92: {  	v18 =	vmul.f32 v19, v18;
	_ =	sdelay $0x1  }
0x93: {  	[tilespmem:v17+s23+$0x0] =	vst.idx.msk $0xffff, v18  }
0x94: {  	v17 =	vld [tilespmem:s18+$0x70];
	s18 =	smov.u32 s13  }
0x95: {  	v18 =	vld [tilespmem:s4+$0x70];
	s4 =	smov.u32 s16;
	_ =	sdelay $0x4  }
0x96: {  	v17 =	vmul.f32 v18, v17;
	_ =	sdelay $0x1  }
0x97: {  	[tilespmem:v16+s23+$0x0] =	vst.idx.msk $0xffff, v17  }
0x98: {  	v16 =	vld [tilespmem:s13+$0xFFFFFF80]  }
0x99: {  	v17 =	vld [tilespmem:s16+$0xFFFFFF80]  }
0x9a: {  	s19 =	sshll.u32 s19, $0x8  }
0x9b: {  	v18 =	vor.u32 s19, v0;
	_ =	sdelay $0x2  }
0x9c: {  	v16 =	vmul.f32 v17, v16;
	_ =	sdelay $0x1  }
0x9d: {  	[tilespmem:v18+s23+$0x0] =	vst.idx.msk $0xffff, v16  }
0x9e: {  	v16 =	vld [tilespmem:s13+$0xFFFFFF90]  }
0x9f: {  	v17 =	vld [tilespmem:s16+$0xFFFFFF90]  }
0xa0: {  	v18 =	vor.u32 s19, v1;
	_ =	sdelay $0x3  }
0xa1: {  	v16 =	vmul.f32 v17, v16;
	_ =	sdelay $0x1  }
0xa2: {  	[tilespmem:v18+s23+$0x0] =	vst.idx.msk $0xffff, v16  }
0xa3: {  	v16 =	vld [tilespmem:s13+$0xFFFFFFA0]  }
0xa4: {  	v18 =	vor.u32 s19, v2;
	v17 =	vld [tilespmem:s16+$0xFFFFFFA0];
	_ =	sdelay $0x4  }
0xa5: {  	v16 =	vmul.f32 v17, v16;
	_ =	sdelay $0x1  }
0xa6: {  	[tilespmem:v18+s23+$0x0] =	vst.idx.msk $0xffff, v16  }
0xa7: {  	v17 =	vor.u32 s19, v3;
	v16 =	vld [tilespmem:s13+$0xFFFFFFB0]  }
0xa8: {  	v18 =	vld [tilespmem:s16+$0xFFFFFFB0];
	_ =	sdelay $0x4  }
0xa9: {  	v16 =	vmul.f32 v18, v16;
	_ =	sdelay $0x1  }
0xaa: {  	[tilespmem:v17+s23+$0x0] =	vst.idx.msk $0xffff, v16;
	v16 =	vor.u32 s19, v4  }
0xab: {  	v17 =	vld [tilespmem:s13+$0xFFFFFFC0]  }
0xac: {  	v18 =	vld [tilespmem:s16+$0xFFFFFFC0];
	_ =	sdelay $0x4  }
0xad: {  	v17 =	vmul.f32 v18, v17  }
0xae: {  	v18 =	vor.u32 s19, v5  }
0xaf: {  	[tilespmem:v16+s23+$0x0] =	vst.idx.msk $0xffff, v17  }
0xb0: {  	v16 =	vld [tilespmem:s13+$0xFFFFFFD0]  }
0xb1: {  	v17 =	vld [tilespmem:s16+$0xFFFFFFD0];
	_ =	sdelay $0x4  }
0xb2: {  	v16 =	vmul.f32 v17, v16;
	v17 =	vor.u32 s19, v6;
	_ =	sdelay $0x1  }
0xb3: {  	[tilespmem:v18+s23+$0x0] =	vst.idx.msk $0xffff, v16  }
0xb4: {  	v16 =	vld [tilespmem:s13+$0xFFFFFFE0]  }
0xb5: {  	v18 =	vld [tilespmem:s16+$0xFFFFFFE0];
	_ =	sdelay $0x3  }
0xb6: {  	v19 =	vor.u32 s19, v7  }
0xb7: {  	v16 =	vmul.f32 v18, v16;
	_ =	sdelay $0x1  }
0xb8: {  	[tilespmem:v17+s23+$0x0] =	vst.idx.msk $0xffff, v16  }
0xb9: {  	v16 =	vld [tilespmem:s13+$0xFFFFFFF0]  }
0xba: {  	v17 =	vld [tilespmem:s16+$0xFFFFFFF0];
	_ =	sdelay $0x2  }
0xbb: {  	v18 =	vor.u32 s19, v8;
	_ =	sdelay $0x1  }
0xbc: {  	v16 =	vmul.f32 v17, v16;
	_ =	sdelay $0x1  }
0xbd: {  	[tilespmem:v19+s23+$0x0] =	vst.idx.msk $0xffff, v16  }
0xbe: {  	v16 =	vld [tilespmem:s13+$0x0]  }
0xbf: {  	v17 =	vld [tilespmem:s16+$0x0];
	_ =	sdelay $0x1  }
0xc0: {  	v19 =	vor.u32 s19, v9;
	_ =	sdelay $0x2  }
0xc1: {  	v16 =	vmul.f32 v17, v16;
	_ =	sdelay $0x1  }
0xc2: {  	[tilespmem:v18+s23+$0x0] =	vst.idx.msk $0xffff, v16  }
0xc3: {  	v16 =	vld [tilespmem:s13+$0x10]  }
0xc4: {  	v17 =	vld [tilespmem:s16+$0x10]  }
0xc5: {  	v18 =	vor.u32 s19, v10;
	_ =	sdelay $0x3  }
0xc6: {  	v16 =	vmul.f32 v17, v16;
	_ =	sdelay $0x1  }
0xc7: {  	[tilespmem:v19+s23+$0x0] =	vst.idx.msk $0xffff, v16  }
0xc8: {  	v16 =	vld [tilespmem:s13+$0x20]  }
0xc9: {  	v19 =	vor.u32 s19, v11;
	v17 =	vld [tilespmem:s16+$0x20];
	_ =	sdelay $0x4  }
0xca: {  	v16 =	vmul.f32 v17, v16;
	_ =	sdelay $0x1  }
0xcb: {  	[tilespmem:v18+s23+$0x0] =	vst.idx.msk $0xffff, v16  }
0xcc: {  	v18 =	vor.u32 s19, v12;
	v16 =	vld [tilespmem:s13+$0x30]  }
0xcd: {  	v17 =	vld [tilespmem:s16+$0x30];
	_ =	sdelay $0x4  }
0xce: {  	v16 =	vmul.f32 v17, v16;
	_ =	sdelay $0x1  }
0xcf: {  	[tilespmem:v19+s23+$0x0] =	vst.idx.msk $0xffff, v16;
	v19 =	vor.u32 s19, v13  }
0xd0: {  	v16 =	vld [tilespmem:s13+$0x40]  }
0xd1: {  	v17 =	vld [tilespmem:s16+$0x40];
	_ =	sdelay $0x4  }
0xd2: {  	v16 =	vmul.f32 v17, v16  }
0xd3: {  	v17 =	vor.u32 s19, v14  }
0xd4: {  	[tilespmem:v18+s23+$0x0] =	vst.idx.msk $0xffff, v16  }
0xd5: {  	v16 =	vld [tilespmem:s13+$0x50]  }
0xd6: {  	v18 =	vld [tilespmem:s16+$0x50];
	_ =	sdelay $0x4  }
.Ltmp2:
0xd7: {  	v18 =	vmul.f32 v18, v16;
	v16 =	vor.u32 s19, v15;
	(pc) =	sbr.rel @p2 .LBB2_7-.Ltmp2, $4  }
0xd8: {  	_ = 	snop  }
0xd9: {  	[tilespmem:v19+s23+$0x0] =	vst.idx.msk $0xffff, v18  }
0xda: {  	v18 =	vld [tilespmem:s13+$0x60]  }
0xdb: {  	v19 =	vld [tilespmem:s16+$0x60]  }
0xdc: {  	_ =	sdelay $0x3  }
0xdd: {  	v18 =	vmul.f32 v19, v18;
	_ =	sdelay $0x1  }
0xde: {  	[tilespmem:v17+s23+$0x0] =	vst.idx.msk $0xffff, v18  }
0xdf: {  	v17 =	vld [tilespmem:s18+$0x70]  }
0xe0: {  	v18 =	vld [tilespmem:s4+$0x70]  }
0xe1: {  	s18 =	sshll.u32 s2, $0x5  }
0xe2: {  	s13 =	sadd.s32 s5, s18  }
0xe3: {  	s13 =	sshll.u32 s13, $0x3  }
0xe4: {  	s4 =	sand.u32 $0x60, s18;
	s13 =	sand.u32 $0x1FC00, s13  }
0xe5: {  	s4 =	sor.u32 s4, s13;
	v17 =	vmul.f32 v18, v17  }
0xe6: {  	s4 =	sshrl.u32 s4, $0x3  }
0xe7: {  	s19 =	simm.s32 $0x10400;
	s13 =	simm.s32 $0x200;
	s4 =	sadd.s32 s0, s4;
	[tilespmem:v16+s23+$0x0] =	vst.idx.msk $0xffff, v17  }
0xe8: {  	[hbm4b:s4+s24] =	stream.strided.scatter [tilespmem:s19], [sflag:$0x3], $0x80, s25, s24, $0x38;
	[tilespmem:$0x15F80] =	vst v63  }
.LBB2_9:
0xe9: {  	p2 =	sne.s32 s13, $0x6600  }
.Ltmp3:
0xea: {  	_ = 	snop;
	(pc) =	sbr.rel @p2 .LBB2_9-.Ltmp3, $4  }
0xeb: {  	_ = 	snop  }
0xec: {  	s16 =	sshra.s32 s13, $0x2;
	s13 =	sadd.s32 $0x200, s13  }
0xed: {  	s4 =	sadd.s32 $0x4000, s4;
	s16 =	sadd.s32 $0x10400, s16  }
0xee: {  	[hbm4b:s4+s24] =	stream.strided.scatter [tilespmem:s16], [sflag:$0x3], $0x80, s25, s24, $0x38;
	[tilespmem:$0x15F80] =	vst v63  }
0xef: {  	p2 =	seq.s32 s2, $0xF  }
0xf0: {  	s4 =	smul.u32 @!p2 $0x340, s2;
	_ =	sdelay $0x1  }
0xf1: {  	s16 =	simm.s32 @!p2 $0x1A0;
	s17 =	simm.s32 @!p2 $0x9C00;
	s13 =	sadd.s32 @!p2 $0x3740, s4  }
0xf2: {  	[tilespmem:s17], [sflag:$0x1] =	stream.indirect.gather @!p2 [spmem:s1], $0x10, s13, s16, $0xb8;
	[tilespmem:$0x15F80] =	vst v63  }
0xf3: {  	s4 =	sadd.s32 @!p2 $0x6B40, s4;
	s13 =	simm.s32 @!p2 $0xB600  }
0xf4: {  	[tilespmem:s13], [sflag:$0x1] =	stream.indirect.gather @!p2 [spmem:s3], $0x10, s4, s16, $0xb8;
	[tilespmem:$0x15F80] =	vst v63  }
0xf5: {  	_ =	swait.ge [sflag:s26], $0x1A00  }
0xf6: {  	[sflag:s26] =	ssyncset.done $0x0  }
0xf7: {  	[sflag:s26] =	ssyncadd.s32 $0xFFFFE600  }
0xf8: {  	_ =	swait.ge [sflag:s26], $0x1A00  }
0xf9: {  	[sflag:s26] =	ssyncset.done $0x0  }
0xfa: {  	s4 =	simm.s32 @!p1 $0x4;
	[sflag:s26] =	ssyncadd.s32 $0xFFFFE600  }
0xfb: {  	_ =	swait.ge @!p1 [sflag:s4], $0x1A00  }
0xfc: {  	[sflag:s4] =	ssyncset.done @!p1 $0x0  }
0xfd: {  	s13 =	simm.s32 $0xD080;
	[sflag:s4] =	ssyncadd.s32 @!p1 $0xFFFFE600  }
0xfe: {  	s16 =	simm.s32 $0xEA80;
	v16 =	vld [tilespmem:s13+$0xFFFFFF80]  }
0xff: {  	v17 =	vld [tilespmem:s16+$0xFFFFFF80]  }
0x100: {  	s19 =	simm.s32 $0x0  }
0x101: {  	v18 =	vor.u32 s19, v0;
	_ =	sdelay $0x2  }
0x102: {  	v16 =	vmul.f32 v17, v16;
	_ =	sdelay $0x1  }
0x103: {  	[tilespmem:v18+s28+$0x0] =	vst.idx.msk $0xffff, v16  }
0x104: {  	v16 =	vld [tilespmem:s13+$0xFFFFFF90]  }
0x105: {  	v17 =	vld [tilespmem:s16+$0xFFFFFF90];
	_ =	sdelay $0x1  }
0x106: {  	v18 =	vor.u32 s19, v1;
	_ =	sdelay $0x2  }
0x107: {  	v16 =	vmul.f32 v17, v16;
	_ =	sdelay $0x1  }
0x108: {  	[tilespmem:v18+s28+$0x0] =	vst.idx.msk $0xffff, v16  }
0x109: {  	v16 =	vld [tilespmem:s13+$0xFFFFFFA0]  }
0x10a: {  	v17 =	vld [tilespmem:s16+$0xFFFFFFA0];
	_ =	sdelay $0x1  }
0x10b: {  	v18 =	vor.u32 s19, v2;
	_ =	sdelay $0x2  }
0x10c: {  	v16 =	vmul.f32 v17, v16;
	_ =	sdelay $0x1  }
0x10d: {  	[tilespmem:v18+s28+$0x0] =	vst.idx.msk $0xffff, v16  }
0x10e: {  	v16 =	vld [tilespmem:s13+$0xFFFFFFB0]  }
0x10f: {  	v17 =	vld [tilespmem:s16+$0xFFFFFFB0];
	_ =	sdelay $0x1  }
0x110: {  	v18 =	vor.u32 s19, v3;
	_ =	sdelay $0x2  }
0x111: {  	v16 =	vmul.f32 v17, v16;
	_ =	sdelay $0x1  }
0x112: {  	[tilespmem:v18+s28+$0x0] =	vst.idx.msk $0xffff, v16  }
0x113: {  	v16 =	vld [tilespmem:s13+$0xFFFFFFC0]  }
0x114: {  	v17 =	vld [tilespmem:s16+$0xFFFFFFC0];
	_ =	sdelay $0x1  }
0x115: {  	v18 =	vor.u32 s19, v4;
	_ =	sdelay $0x2  }
0x116: {  	v16 =	vmul.f32 v17, v16;
	_ =	sdelay $0x1  }
0x117: {  	[tilespmem:v18+s28+$0x0] =	vst.idx.msk $0xffff, v16  }
0x118: {  	v16 =	vld [tilespmem:s13+$0xFFFFFFD0]  }
0x119: {  	v17 =	vld [tilespmem:s16+$0xFFFFFFD0];
	_ =	sdelay $0x1  }
0x11a: {  	v18 =	vor.u32 s19, v5;
	_ =	sdelay $0x2  }
0x11b: {  	v16 =	vmul.f32 v17, v16;
	_ =	sdelay $0x1  }
0x11c: {  	[tilespmem:v18+s28+$0x0] =	vst.idx.msk $0xffff, v16  }
0x11d: {  	v16 =	vld [tilespmem:s13+$0xFFFFFFE0]  }
0x11e: {  	v17 =	vld [tilespmem:s16+$0xFFFFFFE0];
	_ =	sdelay $0x1  }
0x11f: {  	v18 =	vor.u32 s19, v6;
	_ =	sdelay $0x2  }
0x120: {  	v16 =	vmul.f32 v17, v16;
	_ =	sdelay $0x1  }
0x121: {  	[tilespmem:v18+s28+$0x0] =	vst.idx.msk $0xffff, v16  }
0x122: {  	v16 =	vld [tilespmem:s13+$0xFFFFFFF0]  }
0x123: {  	v17 =	vld [tilespmem:s16+$0xFFFFFFF0];
	_ =	sdelay $0x1  }
0x124: {  	v18 =	vor.u32 s19, v7;
	_ =	sdelay $0x2  }
0x125: {  	v16 =	vmul.f32 v17, v16;
	_ =	sdelay $0x1  }
0x126: {  	[tilespmem:v18+s28+$0x0] =	vst.idx.msk $0xffff, v16  }
0x127: {  	v16 =	vld [tilespmem:s13+$0x0]  }
0x128: {  	v17 =	vld [tilespmem:s16+$0x0];
	_ =	sdelay $0x1  }
0x129: {  	v18 =	vor.u32 s19, v8;
	_ =	sdelay $0x2  }
0x12a: {  	v16 =	vmul.f32 v17, v16;
	_ =	sdelay $0x1  }
0x12b: {  	[tilespmem:v18+s28+$0x0] =	vst.idx.msk $0xffff, v16  }
0x12c: {  	v16 =	vld [tilespmem:s13+$0x10]  }
0x12d: {  	v17 =	vld [tilespmem:s16+$0x10];
	_ =	sdelay $0x1  }
0x12e: {  	v18 =	vor.u32 s19, v9;
	_ =	sdelay $0x2  }
0x12f: {  	v16 =	vmul.f32 v17, v16;
	_ =	sdelay $0x1  }
0x130: {  	[tilespmem:v18+s28+$0x0] =	vst.idx.msk $0xffff, v16  }
0x131: {  	v16 =	vld [tilespmem:s13+$0x20]  }
0x132: {  	v17 =	vld [tilespmem:s16+$0x20];
	_ =	sdelay $0x1  }
0x133: {  	v18 =	vor.u32 s19, v10;
	_ =	sdelay $0x2  }
0x134: {  	v16 =	vmul.f32 v17, v16;
	_ =	sdelay $0x1  }
0x135: {  	[tilespmem:v18+s28+$0x0] =	vst.idx.msk $0xffff, v16  }
0x136: {  	v16 =	vld [tilespmem:s13+$0x30]  }
0x137: {  	v17 =	vld [tilespmem:s16+$0x30];
	_ =	sdelay $0x1  }
0x138: {  	v18 =	vor.u32 s19, v11;
	_ =	sdelay $0x2  }
0x139: {  	v16 =	vmul.f32 v17, v16;
	_ =	sdelay $0x1  }
0x13a: {  	[tilespmem:v18+s28+$0x0] =	vst.idx.msk $0xffff, v16  }
0x13b: {  	v16 =	vld [tilespmem:s13+$0x40]  }
0x13c: {  	v17 =	vld [tilespmem:s16+$0x40];
	_ =	sdelay $0x1  }
0x13d: {  	v18 =	vor.u32 s19, v12;
	_ =	sdelay $0x2  }
0x13e: {  	v16 =	vmul.f32 v17, v16;
	_ =	sdelay $0x1  }
0x13f: {  	[tilespmem:v18+s28+$0x0] =	vst.idx.msk $0xffff, v16  }
0x140: {  	v16 =	vld [tilespmem:s13+$0x50]  }
0x141: {  	v17 =	vld [tilespmem:s16+$0x50];
	_ =	sdelay $0x1  }
0x142: {  	v18 =	vor.u32 s19, v13;
	_ =	sdelay $0x2  }
0x143: {  	v16 =	vmul.f32 v17, v16;
	_ =	sdelay $0x1  }
0x144: {  	[tilespmem:v18+s28+$0x0] =	vst.idx.msk $0xffff, v16  }
0x145: {  	v18 =	vld [tilespmem:s13+$0x60]  }
0x146: {  	s18 =	simm.s32 $0xEA80;
	s17 =	simm.s32 $0x1;
	s4 =	simm.s32 $0xD080;
	v17 =	vor.u32 s19, v14;
	v16 =	vor.u32 s19, v15;
	v19 =	vld [tilespmem:s16+$0x60]  }
.LBB2_11:
0x147: {  	p1 =	sne.s32 s17, $0x19;
	s13 =	sadd.s32 $0x100, s13;
	s16 =	sadd.s32 $0x100, s16  }
0x148: {  	s19 =	smov.u32 s17;
	s17 =	sadd.s32 $0x1, s17;
	_ =	sdelay $0x2  }
0x149: {  	v18 =	vmul.f32 v19, v18;
	_ =	sdelay $0x1  }
0x14a: {  	[tilespmem:v17+s28+$0x0] =	vst.idx.msk $0xffff, v18  }
0x14b: {  	v17 =	vld [tilespmem:s4+$0x70];
	s4 =	smov.u32 s13  }
0x14c: {  	v18 =	vld [tilespmem:s18+$0x70];
	s18 =	smov.u32 s16;
	_ =	sdelay $0x4  }
0x14d: {  	v17 =	vmul.f32 v18, v17;
	_ =	sdelay $0x1  }
0x14e: {  	[tilespmem:v16+s28+$0x0] =	vst.idx.msk $0xffff, v17  }
0x14f: {  	v16 =	vld [tilespmem:s13+$0xFFFFFF80]  }
0x150: {  	v17 =	vld [tilespmem:s16+$0xFFFFFF80]  }
0x151: {  	s19 =	sshll.u32 s19, $0x8  }
0x152: {  	v18 =	vor.u32 s19, v0;
	_ =	sdelay $0x2  }
0x153: {  	v16 =	vmul.f32 v17, v16;
	_ =	sdelay $0x1  }
0x154: {  	[tilespmem:v18+s28+$0x0] =	vst.idx.msk $0xffff, v16  }
0x155: {  	v16 =	vld [tilespmem:s13+$0xFFFFFF90]  }
0x156: {  	v17 =	vld [tilespmem:s16+$0xFFFFFF90]  }
0x157: {  	v18 =	vor.u32 s19, v1;
	_ =	sdelay $0x3  }
0x158: {  	v16 =	vmul.f32 v17, v16;
	_ =	sdelay $0x1  }
0x159: {  	[tilespmem:v18+s28+$0x0] =	vst.idx.msk $0xffff, v16  }
0x15a: {  	v16 =	vld [tilespmem:s13+$0xFFFFFFA0]  }
0x15b: {  	v18 =	vor.u32 s19, v2;
	v17 =	vld [tilespmem:s16+$0xFFFFFFA0];
	_ =	sdelay $0x4  }
0x15c: {  	v16 =	vmul.f32 v17, v16;
	_ =	sdelay $0x1  }
0x15d: {  	[tilespmem:v18+s28+$0x0] =	vst.idx.msk $0xffff, v16  }
0x15e: {  	v17 =	vor.u32 s19, v3;
	v16 =	vld [tilespmem:s13+$0xFFFFFFB0]  }
0x15f: {  	v18 =	vld [tilespmem:s16+$0xFFFFFFB0];
	_ =	sdelay $0x4  }
0x160: {  	v16 =	vmul.f32 v18, v16;
	_ =	sdelay $0x1  }
0x161: {  	[tilespmem:v17+s28+$0x0] =	vst.idx.msk $0xffff, v16;
	v16 =	vor.u32 s19, v4  }
0x162: {  	v17 =	vld [tilespmem:s13+$0xFFFFFFC0]  }
0x163: {  	v18 =	vld [tilespmem:s16+$0xFFFFFFC0];
	_ =	sdelay $0x4  }
0x164: {  	v17 =	vmul.f32 v18, v17  }
0x165: {  	v18 =	vor.u32 s19, v5  }
0x166: {  	[tilespmem:v16+s28+$0x0] =	vst.idx.msk $0xffff, v17  }
0x167: {  	v16 =	vld [tilespmem:s13+$0xFFFFFFD0]  }
0x168: {  	v17 =	vld [tilespmem:s16+$0xFFFFFFD0];
	_ =	sdelay $0x4  }
0x169: {  	v16 =	vmul.f32 v17, v16;
	v17 =	vor.u32 s19, v6;
	_ =	sdelay $0x1  }
0x16a: {  	[tilespmem:v18+s28+$0x0] =	vst.idx.msk $0xffff, v16  }
0x16b: {  	v16 =	vld [tilespmem:s13+$0xFFFFFFE0]  }
0x16c: {  	v18 =	vld [tilespmem:s16+$0xFFFFFFE0];
	_ =	sdelay $0x3  }
0x16d: {  	v19 =	vor.u32 s19, v7  }
0x16e: {  	v16 =	vmul.f32 v18, v16;
	_ =	sdelay $0x1  }
0x16f: {  	[tilespmem:v17+s28+$0x0] =	vst.idx.msk $0xffff, v16  }
0x170: {  	v16 =	vld [tilespmem:s13+$0xFFFFFFF0]  }
0x171: {  	v17 =	vld [tilespmem:s16+$0xFFFFFFF0];
	_ =	sdelay $0x2  }
0x172: {  	v18 =	vor.u32 s19, v8;
	_ =	sdelay $0x1  }
0x173: {  	v16 =	vmul.f32 v17, v16;
	_ =	sdelay $0x1  }
0x174: {  	[tilespmem:v19+s28+$0x0] =	vst.idx.msk $0xffff, v16  }
0x175: {  	v16 =	vld [tilespmem:s13+$0x0]  }
0x176: {  	v17 =	vld [tilespmem:s16+$0x0];
	_ =	sdelay $0x1  }
0x177: {  	v19 =	vor.u32 s19, v9;
	_ =	sdelay $0x2  }
0x178: {  	v16 =	vmul.f32 v17, v16;
	_ =	sdelay $0x1  }
0x179: {  	[tilespmem:v18+s28+$0x0] =	vst.idx.msk $0xffff, v16  }
0x17a: {  	v16 =	vld [tilespmem:s13+$0x10]  }
0x17b: {  	v17 =	vld [tilespmem:s16+$0x10]  }
0x17c: {  	v18 =	vor.u32 s19, v10;
	_ =	sdelay $0x3  }
0x17d: {  	v16 =	vmul.f32 v17, v16;
	_ =	sdelay $0x1  }
0x17e: {  	[tilespmem:v19+s28+$0x0] =	vst.idx.msk $0xffff, v16  }
0x17f: {  	v16 =	vld [tilespmem:s13+$0x20]  }
0x180: {  	v19 =	vor.u32 s19, v11;
	v17 =	vld [tilespmem:s16+$0x20];
	_ =	sdelay $0x4  }
0x181: {  	v16 =	vmul.f32 v17, v16;
	_ =	sdelay $0x1  }
0x182: {  	[tilespmem:v18+s28+$0x0] =	vst.idx.msk $0xffff, v16  }
0x183: {  	v18 =	vor.u32 s19, v12;
	v16 =	vld [tilespmem:s13+$0x30]  }
0x184: {  	v17 =	vld [tilespmem:s16+$0x30];
	_ =	sdelay $0x4  }
0x185: {  	v16 =	vmul.f32 v17, v16;
	_ =	sdelay $0x1  }
0x186: {  	[tilespmem:v19+s28+$0x0] =	vst.idx.msk $0xffff, v16;
	v19 =	vor.u32 s19, v13  }
0x187: {  	v16 =	vld [tilespmem:s13+$0x40]  }
0x188: {  	v17 =	vld [tilespmem:s16+$0x40];
	_ =	sdelay $0x4  }
0x189: {  	v16 =	vmul.f32 v17, v16  }
0x18a: {  	v17 =	vor.u32 s19, v14  }
0x18b: {  	[tilespmem:v18+s28+$0x0] =	vst.idx.msk $0xffff, v16  }
0x18c: {  	v16 =	vld [tilespmem:s13+$0x50]  }
0x18d: {  	v18 =	vld [tilespmem:s16+$0x50];
	_ =	sdelay $0x4  }
.Ltmp4:
0x18e: {  	v18 =	vmul.f32 v18, v16;
	v16 =	vor.u32 s19, v15;
	(pc) =	sbr.rel @p1 .LBB2_11-.Ltmp4, $4  }
0x18f: {  	_ = 	snop  }
0x190: {  	[tilespmem:v19+s28+$0x0] =	vst.idx.msk $0xffff, v18  }
0x191: {  	v18 =	vld [tilespmem:s13+$0x60]  }
0x192: {  	v19 =	vld [tilespmem:s16+$0x60]  }
0x193: {  	_ =	sdelay $0x3  }
0x194: {  	v18 =	vmul.f32 v19, v18;
	_ =	sdelay $0x1  }
0x195: {  	[tilespmem:v17+s28+$0x0] =	vst.idx.msk $0xffff, v18  }
0x196: {  	v17 =	vld [tilespmem:s4+$0x70]  }
0x197: {  	v18 =	vld [tilespmem:s18+$0x70]  }
0x198: {  	s18 =	sshll.u32 s12, $0x4  }
0x199: {  	s12 =	sadd.s32 s5, s18  }
0x19a: {  	s12 =	sshll.u32 s12, $0x3  }
0x19b: {  	s4 =	sand.u32 $0x70, s18;
	s12 =	sand.u32 $0x7FFFFC00, s12  }
0x19c: {  	s4 =	sor.u32 s4, s12;
	v17 =	vmul.f32 v18, v17  }
0x19d: {  	s4 =	sshrl.u32 s4, $0x3  }
0x19e: {  	s19 =	simm.s32 $0x11E00;
	s12 =	simm.s32 $0x200;
	s4 =	sadd.s32 s0, s4;
	[tilespmem:v16+s28+$0x0] =	vst.idx.msk $0xffff, v17  }
0x19f: {  	[hbm4b:s4+s24] =	stream.strided.scatter [tilespmem:s19], [sflag:$0x4], $0x80, s25, s24, $0x38;
	[tilespmem:$0x15F80] =	vst v63  }
.LBB2_13:
0x1a0: {  	p1 =	sne.s32 s12, $0x6600  }
.Ltmp5:
0x1a1: {  	_ = 	snop;
	(pc) =	sbr.rel @p1 .LBB2_13-.Ltmp5, $4  }
0x1a2: {  	_ = 	snop  }
0x1a3: {  	s13 =	sshra.s32 s12, $0x2;
	s12 =	sadd.s32 $0x200, s12  }
0x1a4: {  	s4 =	sadd.s32 $0x4000, s4;
	s13 =	sadd.s32 $0x11E00, s13  }
0x1a5: {  	[hbm4b:s4+s24] =	stream.strided.scatter [tilespmem:s13], [sflag:$0x4], $0x80, s25, s24, $0x38;
	[tilespmem:$0x15F80] =	vst v63  }
0x1a6: {  	s2 =	sadd.s32 $0x1, s2  }
0x1a7: {  	p1 =	sne.s32 s2, $0x10  }
.Ltmp6:
0x1a8: {  	_ = 	snop;
	(pc) =	sbr.rel @p1 .LBB2_6-.Ltmp6, $1  }
0x1a9: {  	_ =	sdelay $0x3  }
0x1aa: {  	s31 =	sadd.s32 $0x1, s31  }
0x1ab: {  	_ =	swait.ge [sflag:s29], $0x1A00;
	p1 =	sne.s32 s31, s9  }
.Ltmp7:
0x1ac: {  	[sflag:s29] =	ssyncset.done $0x0;
	(pc) =	sbr.rel @p1 .LBB2_1-.Ltmp7, $4  }
0x1ad: {  	[sflag:s29] =	ssyncadd.s32 $0xFFFFE600  }
0x1ae: {  	_ =	swait.ge [sflag:s30], $0x1A00  }
0x1af: {  	[sflag:s30] =	ssyncset.done $0x0  }
0x1b0: {  	[sflag:s30] =	ssyncadd.s32 $0xFFFFE600  }
0x1b1: {  	_ =	sfence.sel $0x180000  }
0x1b2: {  	[bflag:$0x0] =	sbarrier.arrive $0xFFFF  }
0x1b3: {  	_ =	strace $0x90000047  }
0x1b4: {  	[bflag:$0x2] =	sbarrier.arrive $0xFFFF  }
0x1b5: {  	s0 =	rddreg [dreg:$0x4]  }
0x1b6: {  	s0 =	sadd.s32 @!p0 $0x100000, s0  }
0x1b7: {  	[sflag:s0] =	ssyncadd.tile.s32 @!p0 $0x1;
	_ =	shalt  }
.Lfunc_end2:
_tile_overlayer_lowered:
.L_overlay_start_2:
0x1b8: {  	(tag) =	ssettag $0x2  }
0x1b9: {  	s0 =	rddreg [dreg:$0x0];
	s2 =	stileid.u32  }
0x1ba: {  	s1 =	rddreg [dreg:$0x1];
	p0 =	sne.s32 s2, $0x0  }
0x1bb: {  	s3 =	rddreg [dreg:$0x2];
	[bflag:$0x3] =	sbarrier.arrive $0xFFFF;
	s2 =	simm.s32 @!p0 $0x1C05  }
0x1bc: {  	[timem:s3], [sflag:s2] =	dma.local @!p0 [hbm:s0], s1  }
0x1bd: {  	s0 =	simm.s32 @!p0 $0x5  }
0x1be: {  	_ =	swait.ge @!p0 [sflag:s0], s1  }
0x1bf: {  	s1 =	ssub.s32 @!p0 $0x0, s1;
	[sflag:s0] =	ssyncset.done @!p0 $0x0  }
0x1c0: {  	[sflag:s0] =	ssyncadd.s32 @!p0 s1  }
0x1c1: {  	[bflag:$0x3] =	sbarrier.arrive $0xFFFF  }
0x1c2: {  	_ =	shalt  }

</sc_bundles>
